<compile_context>
chip_gen: v7x
topology: tpu7x:2x2x1
jax: 0.10.2.dev20260603
libtpu: 0.0.44.dev20260713+nightly
codegen_flags: <defaults>
</compile_context>

<pallas_src>
import functools

import jax
import jax.numpy as jnp
from jax import lax
from jax.experimental import pallas as pl
from jax.experimental.pallas import tpu as pltpu
from jax.experimental.pallas import tpu_sc as plsc

N_NODES = 10000
D = 128
N_CLASSES = 40
E = 320000

NC = 2
NS = 16
NW = NC * NS
CS = 320
CHUNKS = 32
EPW = CS * CHUNKS
EP = EPW * NW
NP = 10240
RPS = NP // NS
PAD_NODE = N_NODES

_MESH = plsc.VectorSubcoreMesh(
    core_axis_name="c", subcore_axis_name="s", num_cores=NC, num_subcores=NS)


def _deg_body(dst_hbm, zeros_hbm, ones_hbm, cnt_hbm, acc, didx_all, ones_v,
              sem0, sem1, sem2, sem3):
    c = lax.axis_index("c")
    s = lax.axis_index("s")
    wid = c * NS + s
    row0 = s * RPS
    pltpu.sync_copy(zeros_hbm, acc.at[pl.ds(row0, RPS)])
    pltpu.sync_copy(ones_hbm, ones_v)
    pltpu.sync_copy(dst_hbm.at[pl.ds(wid * CHUNKS, CHUNKS)], didx_all)
    plsc.subcore_barrier()

    sems = (sem0, sem1, sem2, sem3)

    def group(g, carry):
        descs = []
        for b in range(4):
            j = g * 4 + b
            descs.append(pltpu.async_copy(
                ones_v, acc.at[didx_all.at[j]], sems[b], add=True))
        for d in descs:
            d.wait()
        return carry

    lax.fori_loop(0, CHUNKS // 4, group, 0)
    plsc.subcore_barrier()
    pltpu.sync_copy(acc.at[pl.ds(row0, RPS)], cnt_hbm.at[c, pl.ds(row0, RPS)])


_deg_kernel = functools.partial(
    pl.kernel,
    out_type=jax.ShapeDtypeStruct((NC, NP, 16), jnp.float32),
    mesh=_MESH,
    scratch_types=[
        pltpu.VMEM_SHARED((NP, 16), jnp.float32),
        pltpu.VMEM((CHUNKS, CS), jnp.int32),
        pltpu.VMEM((CS, 16), jnp.float32),
    ] + [pltpu.SemaphoreType.DMA] * 4,
    compiler_params=pltpu.CompilerParams(use_tc_tiling_on_sc=False),
)(_deg_body)


def _agg_body(g_hbm, src_hbm, dst_hbm, zeros_hbm, u_hbm,
              acc, sidx, didx, rows, gsem, ssem, isem):
    c = lax.axis_index("c")
    s = lax.axis_index("s")
    wid = c * NS + s
    row0 = s * RPS
    pltpu.sync_copy(zeros_hbm, acc.at[pl.ds(row0, RPS)])
    plsc.subcore_barrier()

    base = wid * EPW

    def chunk(i, carry):
        off = pl.multiple_of(base + i * CS, CS)
        i0 = pltpu.async_copy(src_hbm.at[pl.ds(off, CS)], sidx, isem)
        i1 = pltpu.async_copy(dst_hbm.at[pl.ds(off, CS)], didx, gsem)
        i0.wait()
        i1.wait()
        pltpu.async_copy(g_hbm.at[sidx], rows, gsem).wait()
        pltpu.async_copy(rows, acc.at[didx], ssem, add=True).wait()
        return carry

    lax.fori_loop(0, CHUNKS, chunk, 0)
    plsc.subcore_barrier()
    pltpu.sync_copy(acc.at[pl.ds(row0, RPS)], u_hbm.at[c, pl.ds(row0, RPS)])


_agg_kernel = functools.partial(
    pl.kernel,
    out_type=jax.ShapeDtypeStruct((NC, NP, D), jnp.float32),
    mesh=_MESH,
    scratch_types=[
        pltpu.VMEM_SHARED((NP, D), jnp.float32),
        pltpu.VMEM((CS,), jnp.int32),
        pltpu.VMEM((CS,), jnp.int32),
        pltpu.VMEM((CS, D), jnp.float32),
        pltpu.SemaphoreType.DMA,
        pltpu.SemaphoreType.DMA,
        pltpu.SemaphoreType.DMA,
    ],
    compiler_params=pltpu.CompilerParams(use_tc_tiling_on_sc=False),
)(_agg_body)


BR = 256
GRID = NP // BR


def _dinv_tile(cnt0_ref, cnt1_ref):
    cnt = cnt0_ref[:, 0:1] + cnt1_ref[:, 0:1] + 1.0
    return lax.rsqrt(cnt)


def _tc1_body(x_ref, w1_ref, cnt0_ref, cnt1_ref, g1_ref):
    dinv = _dinv_tile(cnt0_ref, cnt1_ref)
    h = jnp.dot(x_ref[...], w1_ref[...], preferred_element_type=jnp.float32)
    g1_ref[...] = h * dinv


def _tc2_body(u0_ref, u1_ref, g1_ref, cnt0_ref, cnt1_ref, b1_ref, w2_ref,
              h1_ref, g2_ref):
    dinv = _dinv_tile(cnt0_ref, cnt1_ref)
    agg = (u0_ref[...] + u1_ref[...] + g1_ref[...]) * dinv + b1_ref[...]
    h1 = jnp.maximum(agg, 0.0)
    h1_ref[...] = h1
    h = jnp.dot(h1, w2_ref[...], preferred_element_type=jnp.float32)
    g2_ref[...] = h * dinv


def _tc3_body(v0_ref, v1_ref, g2_ref, h1_ref, cnt0_ref, cnt1_ref, b2_ref,
              wl_ref, bl_ref, out_ref):
    dinv = _dinv_tile(cnt0_ref, cnt1_ref)
    agg = (v0_ref[...] + v1_ref[...] + g2_ref[...]) * dinv + b2_ref[...]
    h2 = jnp.maximum(agg, 0.0)
    h = h2 + h1_ref[...]
    logits = jnp.dot(h, wl_ref[...], preferred_element_type=jnp.float32)
    logits = logits + bl_ref[...]
    mask = lax.broadcasted_iota(jnp.int32, (BR, D), 1) < N_CLASSES
    neg = jnp.full((BR, D), -1e30, jnp.float32)
    mx = jnp.max(jnp.where(mask, logits, neg), axis=1, keepdims=True)
    ex = jnp.where(mask, jnp.exp(logits - mx), 0.0)
    lse = jnp.log(jnp.sum(ex, axis=1, keepdims=True))
    out_ref[...] = logits - mx - lse


_row_spec = pl.BlockSpec((BR, D), lambda i: (i, 0))
_cnt_spec = pl.BlockSpec((BR, 16), lambda i: (i, 0))
_w_spec = pl.BlockSpec((D, D), lambda i: (0, 0))
_b_spec = pl.BlockSpec((1, D), lambda i: (0, 0))


_tc1 = pl.pallas_call(
    _tc1_body,
    grid=(GRID,),
    in_specs=[_row_spec, _w_spec, _cnt_spec, _cnt_spec],
    out_specs=_row_spec,
    out_shape=jax.ShapeDtypeStruct((NP, D), jnp.float32),
)

_tc2 = pl.pallas_call(
    _tc2_body,
    grid=(GRID,),
    in_specs=[_row_spec, _row_spec, _row_spec, _cnt_spec, _cnt_spec,
              _b_spec, _w_spec],
    out_specs=(_row_spec, _row_spec),
    out_shape=(jax.ShapeDtypeStruct((NP, D), jnp.float32),
               jax.ShapeDtypeStruct((NP, D), jnp.float32)),
)

_tc3 = pl.pallas_call(
    _tc3_body,
    grid=(GRID,),
    in_specs=[_row_spec, _row_spec, _row_spec, _row_spec, _cnt_spec,
              _cnt_spec, _b_spec, _w_spec, _b_spec],
    out_specs=_row_spec,
    out_shape=jax.ShapeDtypeStruct((NP, D), jnp.float32),
)


def kernel(x, edge_index, W1, b1, W2, b2, Wl, bl):
    xp = jnp.zeros((NP, D), jnp.float32).at[:N_NODES].set(x)
    pad = jnp.full((EP - E,), PAD_NODE, jnp.int32)
    srcp = jnp.concatenate([edge_index[0].astype(jnp.int32), pad])
    dstp = jnp.concatenate([edge_index[1].astype(jnp.int32), pad])
    dstp2 = dstp.reshape(NW * CHUNKS, CS)

    z16 = jnp.zeros((RPS, 16), jnp.float32)
    z128 = jnp.zeros((RPS, D), jnp.float32)
    ones16 = jnp.ones((CS, 16), jnp.float32)
    b1r = b1.reshape(1, D)
    b2r = b2.reshape(1, D)
    wlp = jnp.zeros((D, D), jnp.float32).at[:, :N_CLASSES].set(Wl)
    blp = jnp.zeros((1, D), jnp.float32).at[0, :N_CLASSES].set(bl)

    cnt2 = _deg_kernel(dstp2, z16, ones16)
    cnt0, cnt1 = cnt2[0], cnt2[1]
    g1 = _tc1(xp, W1, cnt0, cnt1)
    u2 = _agg_kernel(g1, srcp, dstp, z128)
    u0, u1 = u2[0], u2[1]
    h1, g2 = _tc2(u0, u1, g1, cnt0, cnt1, b1r, W2)
    v2 = _agg_kernel(g2, srcp, dstp, z128)
    v0, v1 = v2[0], v2[1]
    outp = _tc3(v0, v1, g2, h1, cnt0, cnt1, b2r, wlp, blp)

    return (outp[:N_NODES, :N_CLASSES], edge_index)

# --- scband reference (transcript-rebuilt; emitter-appended) ---
"""Pipeline reference for scband-gcnconvolution-lin-skip-72911364817006 (READ-ONLY COPY).

The authoritative reference and input builder live on the scoring server;
editing this copy changes nothing except your own understanding.
"""

import jax, jax.numpy as jnp
import numpy as np

N_NODES = 10000
D_FEAT = 128
HIDDEN = 128
N_CLASSES = 40
N_EDGES = 320000


def setup_inputs(seed: int = 0) -> dict:
    key = jax.random.key(seed)
    k = jax.random.split(key, 8)
    x = jax.random.normal(k[0], (N_NODES, D_FEAT), dtype=jnp.float32)
    edge_index = jax.random.randint(k[1], (2, N_EDGES), 0, N_NODES, dtype=jnp.int64 if jax.config.jax_enable_x64 else jnp.int32).astype(jnp.int32)
    W1 = jax.random.normal(k[2], (D_FEAT, HIDDEN), dtype=jnp.float32) * (1.0 / np.sqrt(D_FEAT))
    b1 = jnp.zeros((HIDDEN,), dtype=jnp.float32)
    W2 = jax.random.normal(k[3], (HIDDEN, HIDDEN), dtype=jnp.float32) * (1.0 / np.sqrt(HIDDEN))
    b2 = jnp.zeros((HIDDEN,), dtype=jnp.float32)
    Wl = jax.random.normal(k[4], (HIDDEN, N_CLASSES), dtype=jnp.float32) * (1.0 / np.sqrt(HIDDEN))
    bl = jnp.zeros((N_CLASSES,), dtype=jnp.float32)
    return {"x": x, "edge_index": edge_index, "W1": W1, "b1": b1, "W2": W2, "b2": b2, "Wl": Wl, "bl": bl}


def _gcn_conv(x, src, dst, W, b, num_nodes):
    # linear transform
    h = x @ W
    # symmetric GCN normalization with self-loops (PyG GCNConv semantics)
    ones = jnp.ones(src.shape[0], dtype=h.dtype)
    deg = jax.ops.segment_sum(ones, dst, num_segments=num_nodes)
    dinv = jnp.where(deg > 0, 1.0 / jnp.sqrt(deg), 0.0)
    norm = dinv[src] * dinv[dst]
    msg = h[src] * norm[:, None]
    out = jax.ops.segment_sum(msg, dst, num_segments=num_nodes)
    return out + b


def reference(x, edge_index, W1, b1, W2, b2, Wl, bl):
    num_nodes = x.shape[0]
    # add self-loops once (shared by both conv layers)
    loop = jnp.arange(num_nodes, dtype=edge_index.dtype)
    src = jnp.concatenate([edge_index[0], loop])
    dst = jnp.concatenate([edge_index[1], loop])
    h = jax.nn.relu(_gcn_conv(x, src, dst, W1, b1, num_nodes))
    # dropout is identity in eval mode
    h1 = jax.nn.relu(_gcn_conv(h, src, dst, W2, b2, num_nodes))
    h = h1 + h
    logits = h @ Wl + bl
    out = jax.nn.log_softmax(logits, axis=1)
    return (out, edge_index)

if __name__ == "__main__":
    import jax
    _d = setup_inputs()
    print(jax.jit(kernel)(*tuple(_d.values())))

</pallas_src>

<mosaic_0001>
#map = affine_map<(d0, d1) -> (0, 0)>
#map1 = affine_map<(d0, d1) -> (0, 0, 0)>
module attributes {stable_mosaic.version = 14 : i64} {
  func.func @_deg_body(%arg0: i32, %arg1: i32, %arg2: memref<1024x320xi32, #tpu.memory_space<hbm>>, %arg3: memref<640x16xf32, #tpu.memory_space<hbm>>, %arg4: memref<320x16xf32, #tpu.memory_space<hbm>>, %arg5: memref<2x10240x16xf32, #tpu.memory_space<hbm>>, %arg6: memref<10240x16xf32, #tpu.memory_space<vmem_shared>>, %arg7: memref<32x320xi32, #tpu.memory_space<vmem>>, %arg8: memref<320x16xf32, #tpu.memory_space<vmem>>, %arg9: memref<!tpu.dma_semaphore, #tpu.memory_space<semaphore_mem>>, %arg10: memref<!tpu.dma_semaphore, #tpu.memory_space<semaphore_mem>>, %arg11: memref<!tpu.dma_semaphore, #tpu.memory_space<semaphore_mem>>, %arg12: memref<!tpu.dma_semaphore, #tpu.memory_space<semaphore_mem>>) attributes {dimension_semantics = [#tpu.dimension_semantics<core_parallel>, #tpu.dimension_semantics<subcore_parallel>], iteration_bounds = array<i64: 2, 16>, scalar_prefetch = 0 : i64, scratch_operands = 7 : i64, tpu.core_type = #tpu.core_type<sc_vector_subcore>, window_params = [{transform_indices = #map}, {transform_indices = #map}, {transform_indices = #map}, {transform_indices = #map1}]} {
    %mul3A = arith.constant 16 : i32
    %mul3A_0 = arith.muli %arg0, %mul3A : i32
    %add3A = arith.addi %mul3A_0, %arg1 : i32
    %mul3A_1 = arith.constant 640 : i32
    %mul3A_2 = arith.muli %arg1, %mul3A_1 : i32
    "tpu.region"() ({
      %run_scoped3A = tpu.sem_alloc : memref<!tpu.dma_semaphore, #tpu.memory_space<semaphore_mem>>
      %dma_start3A = arith.constant 0 : i32
      %dma_start3A_11 = tpu.memref_slice %arg6[%mul3A_2, %dma_start3A] : memref<10240x16xf32, #tpu.memory_space<vmem_shared>> -> memref<640x16xf32, #tpu.memory_space<vmem_shared>>
      tpu.enqueue_dma source(%arg3 : memref<640x16xf32, #tpu.memory_space<hbm>>) target(%dma_start3A_11 : memref<640x16xf32, #tpu.memory_space<vmem_shared>>) target_semaphore(%run_scoped3A : memref<!tpu.dma_semaphore, #tpu.memory_space<semaphore_mem>>)
      %dma_wait3A = arith.constant 0 : i32
      %dma_wait3A_12 = tpu.memref_slice %arg6[%mul3A_2, %dma_wait3A] : memref<10240x16xf32, #tpu.memory_space<vmem_shared>> -> memref<640x16xf32, #tpu.memory_space<vmem_shared>>
      tpu.wait_dma2 semaphore(%run_scoped3A : memref<!tpu.dma_semaphore, #tpu.memory_space<semaphore_mem>>) src(%arg3 : memref<640x16xf32, #tpu.memory_space<hbm>>) dst(%dma_wait3A_12 : memref<640x16xf32, #tpu.memory_space<vmem_shared>>)
      tpu.yield
    }) : () -> ()
    "tpu.region"() ({
      %run_scoped3A = tpu.sem_alloc : memref<!tpu.dma_semaphore, #tpu.memory_space<semaphore_mem>>
      tpu.enqueue_dma source(%arg4 : memref<320x16xf32, #tpu.memory_space<hbm>>) target(%arg8 : memref<320x16xf32, #tpu.memory_space<vmem>>) target_semaphore(%run_scoped3A : memref<!tpu.dma_semaphore, #tpu.memory_space<semaphore_mem>>)
      tpu.wait_dma2 semaphore(%run_scoped3A : memref<!tpu.dma_semaphore, #tpu.memory_space<semaphore_mem>>) src(%arg4 : memref<320x16xf32, #tpu.memory_space<hbm>>) dst(%arg8 : memref<320x16xf32, #tpu.memory_space<vmem>>)
      tpu.yield
    }) : () -> ()
    %mul3A_3 = arith.constant 32 : i32
    %mul3A_4 = arith.muli %add3A, %mul3A_3 : i32
    "tpu.region"() ({
      %run_scoped3A = tpu.sem_alloc : memref<!tpu.dma_semaphore, #tpu.memory_space<semaphore_mem>>
      %dma_start3A = arith.constant 0 : i32
      %dma_start3A_11 = tpu.memref_slice %arg2[%mul3A_4, %dma_start3A] : memref<1024x320xi32, #tpu.memory_space<hbm>> -> memref<32x320xi32, #tpu.memory_space<hbm>>
      %dma_start3A_12 = arith.constant 0 : i32
      %dma_start3A_13 = tpu.memref_slice %arg2[%mul3A_4, %dma_start3A_12] : memref<1024x320xi32, #tpu.memory_space<hbm>> -> memref<32x320xi32, #tpu.memory_space<hbm>>
      tpu.enqueue_dma source(%dma_start3A_13 : memref<32x320xi32, #tpu.memory_space<hbm>>) target(%arg7 : memref<32x320xi32, #tpu.memory_space<vmem>>) target_semaphore(%run_scoped3A : memref<!tpu.dma_semaphore, #tpu.memory_space<semaphore_mem>>)
      %dma_wait3A = arith.constant 0 : i32
      %dma_wait3A_14 = tpu.memref_slice %arg2[%mul3A_4, %dma_wait3A] : memref<1024x320xi32, #tpu.memory_space<hbm>> -> memref<32x320xi32, #tpu.memory_space<hbm>>
      %dma_wait3A_15 = arith.constant 0 : i32
      %dma_wait3A_16 = tpu.memref_slice %arg2[%mul3A_4, %dma_wait3A_15] : memref<1024x320xi32, #tpu.memory_space<hbm>> -> memref<32x320xi32, #tpu.memory_space<hbm>>
      tpu.wait_dma2 semaphore(%run_scoped3A : memref<!tpu.dma_semaphore, #tpu.memory_space<semaphore_mem>>) src(%dma_wait3A_16 : memref<32x320xi32, #tpu.memory_space<hbm>>) dst(%arg7 : memref<32x320xi32, #tpu.memory_space<vmem>>)
      tpu.yield
    }) : () -> ()
    %barrier3A = arith.constant 0 : index
    tpu.barrier barrier_id(%barrier3A)
    %scan3A = arith.constant 0 : i32
    %scan3A_5 = arith.constant 0 : i32
    %scan3A_6 = arith.constant 8 : i32
    %scan3A_7 = arith.addi %scan3A_5, %scan3A_6 : i32
    %scan3A_8 = arith.constant 1 : i32
    scf.for %scan3A_11 = %scan3A_5 to %scan3A_7 step %scan3A_8  : i32 {
      %mul3A_12 = arith.constant 4 : i32
      %mul3A_13 = arith.muli %scan3A_11, %mul3A_12 : i32
      %add3A_14 = arith.constant 0 : i32
      %add3A_15 = arith.addi %mul3A_13, %add3A_14 : i32
      %dma_start3A = arith.constant 0 : i32
      %dma_start3A_16 = tpu.memref_slice %arg7[%add3A_15, %dma_start3A] : memref<32x320xi32, #tpu.memory_space<vmem>> -> memref<1x320xi32, #tpu.memory_space<vmem>>
      %dma_start3A_17 = tpu.memref_squeeze %dma_start3A_16 : memref<1x320xi32, #tpu.memory_space<vmem>> -> memref<320xi32, #tpu.memory_space<vmem>>
      %dma_start3A_18 = arith.constant 0 : i32
      %dma_start3A_19 = arith.constant 0 : i32
      %dma_start3A_20 = tpu.memref_slice %arg6[%dma_start3A_18, %dma_start3A_19] : memref<10240x16xf32, #tpu.memory_space<vmem_shared>> -> memref<10240x16xf32, #tpu.memory_space<vmem_shared>>
      tpu.enqueue_indirect_dma source(%arg8 : memref<320x16xf32, #tpu.memory_space<vmem>>) target(%dma_start3A_20 : memref<10240x16xf32, #tpu.memory_space<vmem_shared>>) offsets(%dma_start3A_17 : memref<320xi32, #tpu.memory_space<vmem>>) semaphore(%arg9 : memref<!tpu.dma_semaphore, #tpu.memory_space<semaphore_mem>>) {add = true}
      %mul3A_21 = arith.constant 4 : i32
      %mul3A_22 = arith.muli %scan3A_11, %mul3A_21 : i32
      %add3A_23 = arith.constant 1 : i32
      %add3A_24 = arith.addi %mul3A_22, %add3A_23 : i32
      %dma_start3A_25 = arith.constant 0 : i32
      %dma_start3A_26 = tpu.memref_slice %arg7[%add3A_24, %dma_start3A_25] : memref<32x320xi32, #tpu.memory_space<vmem>> -> memref<1x320xi32, #tpu.memory_space<vmem>>
      %dma_start3A_27 = tpu.memref_squeeze %dma_start3A_26 : memref<1x320xi32, #tpu.memory_space<vmem>> -> memref<320xi32, #tpu.memory_space<vmem>>
      %dma_start3A_28 = arith.constant 0 : i32
      %dma_start3A_29 = arith.constant 0 : i32
      %dma_start3A_30 = tpu.memref_slice %arg6[%dma_start3A_28, %dma_start3A_29] : memref<10240x16xf32, #tpu.memory_space<vmem_shared>> -> memref<10240x16xf32, #tpu.memory_space<vmem_shared>>
      tpu.enqueue_indirect_dma source(%arg8 : memref<320x16xf32, #tpu.memory_space<vmem>>) target(%dma_start3A_30 : memref<10240x16xf32, #tpu.memory_space<vmem_shared>>) offsets(%dma_start3A_27 : memref<320xi32, #tpu.memory_space<vmem>>) semaphore(%arg10 : memref<!tpu.dma_semaphore, #tpu.memory_space<semaphore_mem>>) {add = true}
      %mul3A_31 = arith.constant 4 : i32
      %mul3A_32 = arith.muli %scan3A_11, %mul3A_31 : i32
      %add3A_33 = arith.constant 2 : i32
      %add3A_34 = arith.addi %mul3A_32, %add3A_33 : i32
      %dma_start3A_35 = arith.constant 0 : i32
      %dma_start3A_36 = tpu.memref_slice %arg7[%add3A_34, %dma_start3A_35] : memref<32x320xi32, #tpu.memory_space<vmem>> -> memref<1x320xi32, #tpu.memory_space<vmem>>
      %dma_start3A_37 = tpu.memref_squeeze %dma_start3A_36 : memref<1x320xi32, #tpu.memory_space<vmem>> -> memref<320xi32, #tpu.memory_space<vmem>>
      %dma_start3A_38 = arith.constant 0 : i32
      %dma_start3A_39 = arith.constant 0 : i32
      %dma_start3A_40 = tpu.memref_slice %arg6[%dma_start3A_38, %dma_start3A_39] : memref<10240x16xf32, #tpu.memory_space<vmem_shared>> -> memref<10240x16xf32, #tpu.memory_space<vmem_shared>>
      tpu.enqueue_indirect_dma source(%arg8 : memref<320x16xf32, #tpu.memory_space<vmem>>) target(%dma_start3A_40 : memref<10240x16xf32, #tpu.memory_space<vmem_shared>>) offsets(%dma_start3A_37 : memref<320xi32, #tpu.memory_space<vmem>>) semaphore(%arg11 : memref<!tpu.dma_semaphore, #tpu.memory_space<semaphore_mem>>) {add = true}
      %mul3A_41 = arith.constant 4 : i32
      %mul3A_42 = arith.muli %scan3A_11, %mul3A_41 : i32
      %add3A_43 = arith.constant 3 : i32
      %add3A_44 = arith.addi %mul3A_42, %add3A_43 : i32
      %dma_start3A_45 = arith.constant 0 : i32
      %dma_start3A_46 = tpu.memref_slice %arg7[%add3A_44, %dma_start3A_45] : memref<32x320xi32, #tpu.memory_space<vmem>> -> memref<1x320xi32, #tpu.memory_space<vmem>>
      %dma_start3A_47 = tpu.memref_squeeze %dma_start3A_46 : memref<1x320xi32, #tpu.memory_space<vmem>> -> memref<320xi32, #tpu.memory_space<vmem>>
      %dma_start3A_48 = arith.constant 0 : i32
      %dma_start3A_49 = arith.constant 0 : i32
      %dma_start3A_50 = tpu.memref_slice %arg6[%dma_start3A_48, %dma_start3A_49] : memref<10240x16xf32, #tpu.memory_space<vmem_shared>> -> memref<10240x16xf32, #tpu.memory_space<vmem_shared>>
      tpu.enqueue_indirect_dma source(%arg8 : memref<320x16xf32, #tpu.memory_space<vmem>>) target(%dma_start3A_50 : memref<10240x16xf32, #tpu.memory_space<vmem_shared>>) offsets(%dma_start3A_47 : memref<320xi32, #tpu.memory_space<vmem>>) semaphore(%arg12 : memref<!tpu.dma_semaphore, #tpu.memory_space<semaphore_mem>>) {add = true}
      %dma_wait3A = arith.constant 0 : i32
      %dma_wait3A_51 = tpu.memref_slice %arg7[%add3A_15, %dma_wait3A] : memref<32x320xi32, #tpu.memory_space<vmem>> -> memref<1x320xi32, #tpu.memory_space<vmem>>
      %dma_wait3A_52 = tpu.memref_squeeze %dma_wait3A_51 : memref<1x320xi32, #tpu.memory_space<vmem>> -> memref<320xi32, #tpu.memory_space<vmem>>
      %dma_wait3A_53 = arith.constant 0 : i32
      %dma_wait3A_54 = arith.constant 0 : i32
      %dma_wait3A_55 = tpu.memref_slice %arg6[%dma_wait3A_53, %dma_wait3A_54] : memref<10240x16xf32, #tpu.memory_space<vmem_shared>> -> memref<10240x16xf32, #tpu.memory_space<vmem_shared>>
      tpu.wait_indirect_dma semaphore(%arg9 : memref<!tpu.dma_semaphore, #tpu.memory_space<semaphore_mem>>) src(%arg8 : memref<320x16xf32, #tpu.memory_space<vmem>>) dst(%dma_wait3A_55 : memref<10240x16xf32, #tpu.memory_space<vmem_shared>>)
      %dma_wait3A_56 = arith.constant 0 : i32
      %dma_wait3A_57 = tpu.memref_slice %arg7[%add3A_24, %dma_wait3A_56] : memref<32x320xi32, #tpu.memory_space<vmem>> -> memref<1x320xi32, #tpu.memory_space<vmem>>
      %dma_wait3A_58 = tpu.memref_squeeze %dma_wait3A_57 : memref<1x320xi32, #tpu.memory_space<vmem>> -> memref<320xi32, #tpu.memory_space<vmem>>
      %dma_wait3A_59 = arith.constant 0 : i32
      %dma_wait3A_60 = arith.constant 0 : i32
      %dma_wait3A_61 = tpu.memref_slice %arg6[%dma_wait3A_59, %dma_wait3A_60] : memref<10240x16xf32, #tpu.memory_space<vmem_shared>> -> memref<10240x16xf32, #tpu.memory_space<vmem_shared>>
      tpu.wait_indirect_dma semaphore(%arg10 : memref<!tpu.dma_semaphore, #tpu.memory_space<semaphore_mem>>) src(%arg8 : memref<320x16xf32, #tpu.memory_space<vmem>>) dst(%dma_wait3A_61 : memref<10240x16xf32, #tpu.memory_space<vmem_shared>>)
      %dma_wait3A_62 = arith.constant 0 : i32
      %dma_wait3A_63 = tpu.memref_slice %arg7[%add3A_34, %dma_wait3A_62] : memref<32x320xi32, #tpu.memory_space<vmem>> -> memref<1x320xi32, #tpu.memory_space<vmem>>
      %dma_wait3A_64 = tpu.memref_squeeze %dma_wait3A_63 : memref<1x320xi32, #tpu.memory_space<vmem>> -> memref<320xi32, #tpu.memory_space<vmem>>
      %dma_wait3A_65 = arith.constant 0 : i32
      %dma_wait3A_66 = arith.constant 0 : i32
      %dma_wait3A_67 = tpu.memref_slice %arg6[%dma_wait3A_65, %dma_wait3A_66] : memref<10240x16xf32, #tpu.memory_space<vmem_shared>> -> memref<10240x16xf32, #tpu.memory_space<vmem_shared>>
      tpu.wait_indirect_dma semaphore(%arg11 : memref<!tpu.dma_semaphore, #tpu.memory_space<semaphore_mem>>) src(%arg8 : memref<320x16xf32, #tpu.memory_space<vmem>>) dst(%dma_wait3A_67 : memref<10240x16xf32, #tpu.memory_space<vmem_shared>>)
      %dma_wait3A_68 = arith.constant 0 : i32
      %dma_wait3A_69 = tpu.memref_slice %arg7[%add3A_44, %dma_wait3A_68] : memref<32x320xi32, #tpu.memory_space<vmem>> -> memref<1x320xi32, #tpu.memory_space<vmem>>
      %dma_wait3A_70 = tpu.memref_squeeze %dma_wait3A_69 : memref<1x320xi32, #tpu.memory_space<vmem>> -> memref<320xi32, #tpu.memory_space<vmem>>
      %dma_wait3A_71 = arith.constant 0 : i32
      %dma_wait3A_72 = arith.constant 0 : i32
      %dma_wait3A_73 = tpu.memref_slice %arg6[%dma_wait3A_71, %dma_wait3A_72] : memref<10240x16xf32, #tpu.memory_space<vmem_shared>> -> memref<10240x16xf32, #tpu.memory_space<vmem_shared>>
      tpu.wait_indirect_dma semaphore(%arg12 : memref<!tpu.dma_semaphore, #tpu.memory_space<semaphore_mem>>) src(%arg8 : memref<320x16xf32, #tpu.memory_space<vmem>>) dst(%dma_wait3A_73 : memref<10240x16xf32, #tpu.memory_space<vmem_shared>>)
    }
    %scan3A_9 = arith.constant 8 : i32
    %barrier3A_10 = arith.constant 0 : index
    tpu.barrier barrier_id(%barrier3A_10)
    "tpu.region"() ({
      %run_scoped3A = tpu.sem_alloc : memref<!tpu.dma_semaphore, #tpu.memory_space<semaphore_mem>>
      %dma_start3A = arith.constant 0 : i32
      %dma_start3A_11 = tpu.memref_slice %arg5[%arg0, %mul3A_2, %dma_start3A] : memref<2x10240x16xf32, #tpu.memory_space<hbm>> -> memref<1x640x16xf32, #tpu.memory_space<hbm>>
      %dma_start3A_12 = tpu.memref_squeeze %dma_start3A_11 : memref<1x640x16xf32, #tpu.memory_space<hbm>> -> memref<640x16xf32, #tpu.memory_space<hbm>>
      %dma_start3A_13 = arith.constant 0 : i32
      %dma_start3A_14 = tpu.memref_slice %arg6[%mul3A_2, %dma_start3A_13] : memref<10240x16xf32, #tpu.memory_space<vmem_shared>> -> memref<640x16xf32, #tpu.memory_space<vmem_shared>>
      tpu.enqueue_dma source(%dma_start3A_14 : memref<640x16xf32, #tpu.memory_space<vmem_shared>>) target(%dma_start3A_12 : memref<640x16xf32, #tpu.memory_space<hbm>>) target_semaphore(%run_scoped3A : memref<!tpu.dma_semaphore, #tpu.memory_space<semaphore_mem>>)
      %dma_wait3A = arith.constant 0 : i32
      %dma_wait3A_15 = tpu.memref_slice %arg5[%arg0, %mul3A_2, %dma_wait3A] : memref<2x10240x16xf32, #tpu.memory_space<hbm>> -> memref<1x640x16xf32, #tpu.memory_space<hbm>>
      %dma_wait3A_16 = tpu.memref_squeeze %dma_wait3A_15 : memref<1x640x16xf32, #tpu.memory_space<hbm>> -> memref<640x16xf32, #tpu.memory_space<hbm>>
      %dma_wait3A_17 = arith.constant 0 : i32
      %dma_wait3A_18 = tpu.memref_slice %arg6[%mul3A_2, %dma_wait3A_17] : memref<10240x16xf32, #tpu.memory_space<vmem_shared>> -> memref<640x16xf32, #tpu.memory_space<vmem_shared>>
      tpu.wait_dma2 semaphore(%run_scoped3A : memref<!tpu.dma_semaphore, #tpu.memory_space<semaphore_mem>>) src(%dma_wait3A_18 : memref<640x16xf32, #tpu.memory_space<vmem_shared>>) dst(%dma_wait3A_16 : memref<640x16xf32, #tpu.memory_space<hbm>>)
      tpu.yield
    }) : () -> ()
    return
  }
}

#map = affine_map<(d0, d1) -> (0, 0)>
#map1 = affine_map<(d0, d1) -> (0)>
#map2 = affine_map<(d0, d1) -> (0, 0, 0)>
module attributes {stable_mosaic.version = 14 : i64} {
  func.func @_agg_body(%arg0: i32, %arg1: i32, %arg2: memref<10240x128xf32, #tpu.memory_space<hbm>>, %arg3: memref<327680xi32, #tpu.memory_space<hbm>>, %arg4: memref<327680xi32, #tpu.memory_space<hbm>>, %arg5: memref<640x128xf32, #tpu.memory_space<hbm>>, %arg6: memref<2x10240x128xf32, #tpu.memory_space<hbm>>, %arg7: memref<10240x128xf32, #tpu.memory_space<vmem_shared>>, %arg8: memref<320xi32, #tpu.memory_space<vmem>>, %arg9: memref<320xi32, #tpu.memory_space<vmem>>, %arg10: memref<320x128xf32, #tpu.memory_space<vmem>>, %arg11: memref<!tpu.dma_semaphore, #tpu.memory_space<semaphore_mem>>, %arg12: memref<!tpu.dma_semaphore, #tpu.memory_space<semaphore_mem>>, %arg13: memref<!tpu.dma_semaphore, #tpu.memory_space<semaphore_mem>>) attributes {dimension_semantics = [#tpu.dimension_semantics<core_parallel>, #tpu.dimension_semantics<subcore_parallel>], iteration_bounds = array<i64: 2, 16>, scalar_prefetch = 0 : i64, scratch_operands = 7 : i64, tpu.core_type = #tpu.core_type<sc_vector_subcore>, window_params = [{transform_indices = #map}, {transform_indices = #map1}, {transform_indices = #map1}, {transform_indices = #map}, {transform_indices = #map2}]} {
    %mul3A = arith.constant 16 : i32
    %mul3A_0 = arith.muli %arg0, %mul3A : i32
    %add3A = arith.addi %mul3A_0, %arg1 : i32
    %mul3A_1 = arith.constant 640 : i32
    %mul3A_2 = arith.muli %arg1, %mul3A_1 : i32
    "tpu.region"() ({
      %run_scoped3A = tpu.sem_alloc : memref<!tpu.dma_semaphore, #tpu.memory_space<semaphore_mem>>
      %dma_start3A = arith.constant 0 : i32
      %dma_start3A_11 = tpu.memref_slice %arg7[%mul3A_2, %dma_start3A] : memref<10240x128xf32, #tpu.memory_space<vmem_shared>> -> memref<640x128xf32, #tpu.memory_space<vmem_shared>>
      tpu.enqueue_dma source(%arg5 : memref<640x128xf32, #tpu.memory_space<hbm>>) target(%dma_start3A_11 : memref<640x128xf32, #tpu.memory_space<vmem_shared>>) target_semaphore(%run_scoped3A : memref<!tpu.dma_semaphore, #tpu.memory_space<semaphore_mem>>)
      %dma_wait3A = arith.constant 0 : i32
      %dma_wait3A_12 = tpu.memref_slice %arg7[%mul3A_2, %dma_wait3A] : memref<10240x128xf32, #tpu.memory_space<vmem_shared>> -> memref<640x128xf32, #tpu.memory_space<vmem_shared>>
      tpu.wait_dma2 semaphore(%run_scoped3A : memref<!tpu.dma_semaphore, #tpu.memory_space<semaphore_mem>>) src(%arg5 : memref<640x128xf32, #tpu.memory_space<hbm>>) dst(%dma_wait3A_12 : memref<640x128xf32, #tpu.memory_space<vmem_shared>>)
      tpu.yield
    }) : () -> ()
    %barrier3A = arith.constant 0 : index
    tpu.barrier barrier_id(%barrier3A)
    %mul3A_3 = arith.constant 10240 : i32
    %mul3A_4 = arith.muli %add3A, %mul3A_3 : i32
    %scan3A = arith.constant 0 : i32
    %scan3A_5 = arith.constant 0 : i32
    %scan3A_6 = arith.constant 32 : i32
    %scan3A_7 = arith.addi %scan3A_5, %scan3A_6 : i32
    %scan3A_8 = arith.constant 1 : i32
    scf.for %scan3A_11 = %scan3A_5 to %scan3A_7 step %scan3A_8  : i32 {
      %mul3A_12 = arith.constant 320 : i32
      %mul3A_13 = arith.muli %scan3A_11, %mul3A_12 : i32
      %add3A_14 = arith.addi %mul3A_4, %mul3A_13 : i32
      %multiple_of3A = tpu.assume_multiple %add3A_14, 320 : i32
      %dma_start3A = tpu.memref_slice %arg3[%multiple_of3A] : memref<327680xi32, #tpu.memory_space<hbm>> -> memref<320xi32, #tpu.memory_space<hbm>>
      %dma_start3A_15 = tpu.memref_slice %arg3[%multiple_of3A] : memref<327680xi32, #tpu.memory_space<hbm>> -> memref<320xi32, #tpu.memory_space<hbm>>
      tpu.enqueue_dma source(%dma_start3A_15 : memref<320xi32, #tpu.memory_space<hbm>>) target(%arg8 : memref<320xi32, #tpu.memory_space<vmem>>) target_semaphore(%arg13 : memref<!tpu.dma_semaphore, #tpu.memory_space<semaphore_mem>>)
      %dma_start3A_16 = tpu.memref_slice %arg4[%multiple_of3A] : memref<327680xi32, #tpu.memory_space<hbm>> -> memref<320xi32, #tpu.memory_space<hbm>>
      %dma_start3A_17 = tpu.memref_slice %arg4[%multiple_of3A] : memref<327680xi32, #tpu.memory_space<hbm>> -> memref<320xi32, #tpu.memory_space<hbm>>
      tpu.enqueue_dma source(%dma_start3A_17 : memref<320xi32, #tpu.memory_space<hbm>>) target(%arg9 : memref<320xi32, #tpu.memory_space<vmem>>) target_semaphore(%arg11 : memref<!tpu.dma_semaphore, #tpu.memory_space<semaphore_mem>>)
      %dma_wait3A = tpu.memref_slice %arg3[%multiple_of3A] : memref<327680xi32, #tpu.memory_space<hbm>> -> memref<320xi32, #tpu.memory_space<hbm>>
      %dma_wait3A_18 = tpu.memref_slice %arg3[%multiple_of3A] : memref<327680xi32, #tpu.memory_space<hbm>> -> memref<320xi32, #tpu.memory_space<hbm>>
      tpu.wait_dma2 semaphore(%arg13 : memref<!tpu.dma_semaphore, #tpu.memory_space<semaphore_mem>>) src(%dma_wait3A_18 : memref<320xi32, #tpu.memory_space<hbm>>) dst(%arg8 : memref<320xi32, #tpu.memory_space<vmem>>)
      %dma_wait3A_19 = tpu.memref_slice %arg4[%multiple_of3A] : memref<327680xi32, #tpu.memory_space<hbm>> -> memref<320xi32, #tpu.memory_space<hbm>>
      %dma_wait3A_20 = tpu.memref_slice %arg4[%multiple_of3A] : memref<327680xi32, #tpu.memory_space<hbm>> -> memref<320xi32, #tpu.memory_space<hbm>>
      tpu.wait_dma2 semaphore(%arg11 : memref<!tpu.dma_semaphore, #tpu.memory_space<semaphore_mem>>) src(%dma_wait3A_20 : memref<320xi32, #tpu.memory_space<hbm>>) dst(%arg9 : memref<320xi32, #tpu.memory_space<vmem>>)
      %dma_start3A_21 = arith.constant 0 : i32
      %dma_start3A_22 = arith.constant 0 : i32
      %dma_start3A_23 = tpu.memref_slice %arg2[%dma_start3A_21, %dma_start3A_22] : memref<10240x128xf32, #tpu.memory_space<hbm>> -> memref<10240x128xf32, #tpu.memory_space<hbm>>
      tpu.enqueue_indirect_dma source(%dma_start3A_23 : memref<10240x128xf32, #tpu.memory_space<hbm>>) target(%arg10 : memref<320x128xf32, #tpu.memory_space<vmem>>) offsets(%arg8 : memref<320xi32, #tpu.memory_space<vmem>>) semaphore(%arg11 : memref<!tpu.dma_semaphore, #tpu.memory_space<semaphore_mem>>)
      %dma_wait3A_24 = arith.constant 0 : i32
      %dma_wait3A_25 = arith.constant 0 : i32
      %dma_wait3A_26 = tpu.memref_slice %arg2[%dma_wait3A_24, %dma_wait3A_25] : memref<10240x128xf32, #tpu.memory_space<hbm>> -> memref<10240x128xf32, #tpu.memory_space<hbm>>
      tpu.wait_indirect_dma semaphore(%arg11 : memref<!tpu.dma_semaphore, #tpu.memory_space<semaphore_mem>>) src(%dma_wait3A_26 : memref<10240x128xf32, #tpu.memory_space<hbm>>) dst(%arg10 : memref<320x128xf32, #tpu.memory_space<vmem>>)
      %dma_start3A_27 = arith.constant 0 : i32
      %dma_start3A_28 = arith.constant 0 : i32
      %dma_start3A_29 = tpu.memref_slice %arg7[%dma_start3A_27, %dma_start3A_28] : memref<10240x128xf32, #tpu.memory_space<vmem_shared>> -> memref<10240x128xf32, #tpu.memory_space<vmem_shared>>
      tpu.enqueue_indirect_dma source(%arg10 : memref<320x128xf32, #tpu.memory_space<vmem>>) target(%dma_start3A_29 : memref<10240x128xf32, #tpu.memory_space<vmem_shared>>) offsets(%arg9 : memref<320xi32, #tpu.memory_space<vmem>>) semaphore(%arg12 : memref<!tpu.dma_semaphore, #tpu.memory_space<semaphore_mem>>) {add = true}
      %dma_wait3A_30 = arith.constant 0 : i32
      %dma_wait3A_31 = arith.constant 0 : i32
      %dma_wait3A_32 = tpu.memref_slice %arg7[%dma_wait3A_30, %dma_wait3A_31] : memref<10240x128xf32, #tpu.memory_space<vmem_shared>> -> memref<10240x128xf32, #tpu.memory_space<vmem_shared>>
      tpu.wait_indirect_dma semaphore(%arg12 : memref<!tpu.dma_semaphore, #tpu.memory_space<semaphore_mem>>) src(%arg10 : memref<320x128xf32, #tpu.memory_space<vmem>>) dst(%dma_wait3A_32 : memref<10240x128xf32, #tpu.memory_space<vmem_shared>>)
    }
    %scan3A_9 = arith.constant 32 : i32
    %barrier3A_10 = arith.constant 0 : index
    tpu.barrier barrier_id(%barrier3A_10)
    "tpu.region"() ({
      %run_scoped3A = tpu.sem_alloc : memref<!tpu.dma_semaphore, #tpu.memory_space<semaphore_mem>>
      %dma_start3A = arith.constant 0 : i32
      %dma_start3A_11 = tpu.memref_slice %arg6[%arg0, %mul3A_2, %dma_start3A] : memref<2x10240x128xf32, #tpu.memory_space<hbm>> -> memref<1x640x128xf32, #tpu.memory_space<hbm>>
      %dma_start3A_12 = tpu.memref_squeeze %dma_start3A_11 : memref<1x640x128xf32, #tpu.memory_space<hbm>> -> memref<640x128xf32, #tpu.memory_space<hbm>>
      %dma_start3A_13 = arith.constant 0 : i32
      %dma_start3A_14 = tpu.memref_slice %arg7[%mul3A_2, %dma_start3A_13] : memref<10240x128xf32, #tpu.memory_space<vmem_shared>> -> memref<640x128xf32, #tpu.memory_space<vmem_shared>>
      tpu.enqueue_dma source(%dma_start3A_14 : memref<640x128xf32, #tpu.memory_space<vmem_shared>>) target(%dma_start3A_12 : memref<640x128xf32, #tpu.memory_space<hbm>>) target_semaphore(%run_scoped3A : memref<!tpu.dma_semaphore, #tpu.memory_space<semaphore_mem>>)
      %dma_wait3A = arith.constant 0 : i32
      %dma_wait3A_15 = tpu.memref_slice %arg6[%arg0, %mul3A_2, %dma_wait3A] : memref<2x10240x128xf32, #tpu.memory_space<hbm>> -> memref<1x640x128xf32, #tpu.memory_space<hbm>>
      %dma_wait3A_16 = tpu.memref_squeeze %dma_wait3A_15 : memref<1x640x128xf32, #tpu.memory_space<hbm>> -> memref<640x128xf32, #tpu.memory_space<hbm>>
      %dma_wait3A_17 = arith.constant 0 : i32
      %dma_wait3A_18 = tpu.memref_slice %arg7[%mul3A_2, %dma_wait3A_17] : memref<10240x128xf32, #tpu.memory_space<vmem_shared>> -> memref<640x128xf32, #tpu.memory_space<vmem_shared>>
      tpu.wait_dma2 semaphore(%run_scoped3A : memref<!tpu.dma_semaphore, #tpu.memory_space<semaphore_mem>>) src(%dma_wait3A_18 : memref<640x128xf32, #tpu.memory_space<vmem_shared>>) dst(%dma_wait3A_16 : memref<640x128xf32, #tpu.memory_space<hbm>>)
      tpu.yield
    }) : () -> ()
    return
  }
}

#map = affine_map<(d0, d1) -> (0, 0)>
#map1 = affine_map<(d0, d1) -> (0)>
#map2 = affine_map<(d0, d1) -> (0, 0, 0)>
module attributes {stable_mosaic.version = 14 : i64} {
  func.func @_agg_body(%arg0: i32, %arg1: i32, %arg2: memref<10240x128xf32, #tpu.memory_space<hbm>>, %arg3: memref<327680xi32, #tpu.memory_space<hbm>>, %arg4: memref<327680xi32, #tpu.memory_space<hbm>>, %arg5: memref<640x128xf32, #tpu.memory_space<hbm>>, %arg6: memref<2x10240x128xf32, #tpu.memory_space<hbm>>, %arg7: memref<10240x128xf32, #tpu.memory_space<vmem_shared>>, %arg8: memref<320xi32, #tpu.memory_space<vmem>>, %arg9: memref<320xi32, #tpu.memory_space<vmem>>, %arg10: memref<320x128xf32, #tpu.memory_space<vmem>>, %arg11: memref<!tpu.dma_semaphore, #tpu.memory_space<semaphore_mem>>, %arg12: memref<!tpu.dma_semaphore, #tpu.memory_space<semaphore_mem>>, %arg13: memref<!tpu.dma_semaphore, #tpu.memory_space<semaphore_mem>>) attributes {dimension_semantics = [#tpu.dimension_semantics<core_parallel>, #tpu.dimension_semantics<subcore_parallel>], iteration_bounds = array<i64: 2, 16>, scalar_prefetch = 0 : i64, scratch_operands = 7 : i64, tpu.core_type = #tpu.core_type<sc_vector_subcore>, window_params = [{transform_indices = #map}, {transform_indices = #map1}, {transform_indices = #map1}, {transform_indices = #map}, {transform_indices = #map2}]} {
    %mul3A = arith.constant 16 : i32
    %mul3A_0 = arith.muli %arg0, %mul3A : i32
    %add3A = arith.addi %mul3A_0, %arg1 : i32
    %mul3A_1 = arith.constant 640 : i32
    %mul3A_2 = arith.muli %arg1, %mul3A_1 : i32
    "tpu.region"() ({
      %run_scoped3A = tpu.sem_alloc : memref<!tpu.dma_semaphore, #tpu.memory_space<semaphore_mem>>
      %dma_start3A = arith.constant 0 : i32
      %dma_start3A_11 = tpu.memref_slice %arg7[%mul3A_2, %dma_start3A] : memref<10240x128xf32, #tpu.memory_space<vmem_shared>> -> memref<640x128xf32, #tpu.memory_space<vmem_shared>>
      tpu.enqueue_dma source(%arg5 : memref<640x128xf32, #tpu.memory_space<hbm>>) target(%dma_start3A_11 : memref<640x128xf32, #tpu.memory_space<vmem_shared>>) target_semaphore(%run_scoped3A : memref<!tpu.dma_semaphore, #tpu.memory_space<semaphore_mem>>)
      %dma_wait3A = arith.constant 0 : i32
      %dma_wait3A_12 = tpu.memref_slice %arg7[%mul3A_2, %dma_wait3A] : memref<10240x128xf32, #tpu.memory_space<vmem_shared>> -> memref<640x128xf32, #tpu.memory_space<vmem_shared>>
      tpu.wait_dma2 semaphore(%run_scoped3A : memref<!tpu.dma_semaphore, #tpu.memory_space<semaphore_mem>>) src(%arg5 : memref<640x128xf32, #tpu.memory_space<hbm>>) dst(%dma_wait3A_12 : memref<640x128xf32, #tpu.memory_space<vmem_shared>>)
      tpu.yield
    }) : () -> ()
    %barrier3A = arith.constant 0 : index
    tpu.barrier barrier_id(%barrier3A)
    %mul3A_3 = arith.constant 10240 : i32
    %mul3A_4 = arith.muli %add3A, %mul3A_3 : i32
    %scan3A = arith.constant 0 : i32
    %scan3A_5 = arith.constant 0 : i32
    %scan3A_6 = arith.constant 32 : i32
    %scan3A_7 = arith.addi %scan3A_5, %scan3A_6 : i32
    %scan3A_8 = arith.constant 1 : i32
    scf.for %scan3A_11 = %scan3A_5 to %scan3A_7 step %scan3A_8  : i32 {
      %mul3A_12 = arith.constant 320 : i32
      %mul3A_13 = arith.muli %scan3A_11, %mul3A_12 : i32
      %add3A_14 = arith.addi %mul3A_4, %mul3A_13 : i32
      %multiple_of3A = tpu.assume_multiple %add3A_14, 320 : i32
      %dma_start3A = tpu.memref_slice %arg3[%multiple_of3A] : memref<327680xi32, #tpu.memory_space<hbm>> -> memref<320xi32, #tpu.memory_space<hbm>>
      %dma_start3A_15 = tpu.memref_slice %arg3[%multiple_of3A] : memref<327680xi32, #tpu.memory_space<hbm>> -> memref<320xi32, #tpu.memory_space<hbm>>
      tpu.enqueue_dma source(%dma_start3A_15 : memref<320xi32, #tpu.memory_space<hbm>>) target(%arg8 : memref<320xi32, #tpu.memory_space<vmem>>) target_semaphore(%arg13 : memref<!tpu.dma_semaphore, #tpu.memory_space<semaphore_mem>>)
      %dma_start3A_16 = tpu.memref_slice %arg4[%multiple_of3A] : memref<327680xi32, #tpu.memory_space<hbm>> -> memref<320xi32, #tpu.memory_space<hbm>>
      %dma_start3A_17 = tpu.memref_slice %arg4[%multiple_of3A] : memref<327680xi32, #tpu.memory_space<hbm>> -> memref<320xi32, #tpu.memory_space<hbm>>
      tpu.enqueue_dma source(%dma_start3A_17 : memref<320xi32, #tpu.memory_space<hbm>>) target(%arg9 : memref<320xi32, #tpu.memory_space<vmem>>) target_semaphore(%arg11 : memref<!tpu.dma_semaphore, #tpu.memory_space<semaphore_mem>>)
      %dma_wait3A = tpu.memref_slice %arg3[%multiple_of3A] : memref<327680xi32, #tpu.memory_space<hbm>> -> memref<320xi32, #tpu.memory_space<hbm>>
      %dma_wait3A_18 = tpu.memref_slice %arg3[%multiple_of3A] : memref<327680xi32, #tpu.memory_space<hbm>> -> memref<320xi32, #tpu.memory_space<hbm>>
      tpu.wait_dma2 semaphore(%arg13 : memref<!tpu.dma_semaphore, #tpu.memory_space<semaphore_mem>>) src(%dma_wait3A_18 : memref<320xi32, #tpu.memory_space<hbm>>) dst(%arg8 : memref<320xi32, #tpu.memory_space<vmem>>)
      %dma_wait3A_19 = tpu.memref_slice %arg4[%multiple_of3A] : memref<327680xi32, #tpu.memory_space<hbm>> -> memref<320xi32, #tpu.memory_space<hbm>>
      %dma_wait3A_20 = tpu.memref_slice %arg4[%multiple_of3A] : memref<327680xi32, #tpu.memory_space<hbm>> -> memref<320xi32, #tpu.memory_space<hbm>>
      tpu.wait_dma2 semaphore(%arg11 : memref<!tpu.dma_semaphore, #tpu.memory_space<semaphore_mem>>) src(%dma_wait3A_20 : memref<320xi32, #tpu.memory_space<hbm>>) dst(%arg9 : memref<320xi32, #tpu.memory_space<vmem>>)
      %dma_start3A_21 = arith.constant 0 : i32
      %dma_start3A_22 = arith.constant 0 : i32
      %dma_start3A_23 = tpu.memref_slice %arg2[%dma_start3A_21, %dma_start3A_22] : memref<10240x128xf32, #tpu.memory_space<hbm>> -> memref<10240x128xf32, #tpu.memory_space<hbm>>
      tpu.enqueue_indirect_dma source(%dma_start3A_23 : memref<10240x128xf32, #tpu.memory_space<hbm>>) target(%arg10 : memref<320x128xf32, #tpu.memory_space<vmem>>) offsets(%arg8 : memref<320xi32, #tpu.memory_space<vmem>>) semaphore(%arg11 : memref<!tpu.dma_semaphore, #tpu.memory_space<semaphore_mem>>)
      %dma_wait3A_24 = arith.constant 0 : i32
      %dma_wait3A_25 = arith.constant 0 : i32
      %dma_wait3A_26 = tpu.memref_slice %arg2[%dma_wait3A_24, %dma_wait3A_25] : memref<10240x128xf32, #tpu.memory_space<hbm>> -> memref<10240x128xf32, #tpu.memory_space<hbm>>
      tpu.wait_indirect_dma semaphore(%arg11 : memref<!tpu.dma_semaphore, #tpu.memory_space<semaphore_mem>>) src(%dma_wait3A_26 : memref<10240x128xf32, #tpu.memory_space<hbm>>) dst(%arg10 : memref<320x128xf32, #tpu.memory_space<vmem>>)
      %dma_start3A_27 = arith.constant 0 : i32
      %dma_start3A_28 = arith.constant 0 : i32
      %dma_start3A_29 = tpu.memref_slice %arg7[%dma_start3A_27, %dma_start3A_28] : memref<10240x128xf32, #tpu.memory_space<vmem_shared>> -> memref<10240x128xf32, #tpu.memory_space<vmem_shared>>
      tpu.enqueue_indirect_dma source(%arg10 : memref<320x128xf32, #tpu.memory_space<vmem>>) target(%dma_start3A_29 : memref<10240x128xf32, #tpu.memory_space<vmem_shared>>) offsets(%arg9 : memref<320xi32, #tpu.memory_space<vmem>>) semaphore(%arg12 : memref<!tpu.dma_semaphore, #tpu.memory_space<semaphore_mem>>) {add = true}
      %dma_wait3A_30 = arith.constant 0 : i32
      %dma_wait3A_31 = arith.constant 0 : i32
      %dma_wait3A_32 = tpu.memref_slice %arg7[%dma_wait3A_30, %dma_wait3A_31] : memref<10240x128xf32, #tpu.memory_space<vmem_shared>> -> memref<10240x128xf32, #tpu.memory_space<vmem_shared>>
      tpu.wait_indirect_dma semaphore(%arg12 : memref<!tpu.dma_semaphore, #tpu.memory_space<semaphore_mem>>) src(%arg10 : memref<320x128xf32, #tpu.memory_space<vmem>>) dst(%dma_wait3A_32 : memref<10240x128xf32, #tpu.memory_space<vmem_shared>>)
    }
    %scan3A_9 = arith.constant 32 : i32
    %barrier3A_10 = arith.constant 0 : index
    tpu.barrier barrier_id(%barrier3A_10)
    "tpu.region"() ({
      %run_scoped3A = tpu.sem_alloc : memref<!tpu.dma_semaphore, #tpu.memory_space<semaphore_mem>>
      %dma_start3A = arith.constant 0 : i32
      %dma_start3A_11 = tpu.memref_slice %arg6[%arg0, %mul3A_2, %dma_start3A] : memref<2x10240x128xf32, #tpu.memory_space<hbm>> -> memref<1x640x128xf32, #tpu.memory_space<hbm>>
      %dma_start3A_12 = tpu.memref_squeeze %dma_start3A_11 : memref<1x640x128xf32, #tpu.memory_space<hbm>> -> memref<640x128xf32, #tpu.memory_space<hbm>>
      %dma_start3A_13 = arith.constant 0 : i32
      %dma_start3A_14 = tpu.memref_slice %arg7[%mul3A_2, %dma_start3A_13] : memref<10240x128xf32, #tpu.memory_space<vmem_shared>> -> memref<640x128xf32, #tpu.memory_space<vmem_shared>>
      tpu.enqueue_dma source(%dma_start3A_14 : memref<640x128xf32, #tpu.memory_space<vmem_shared>>) target(%dma_start3A_12 : memref<640x128xf32, #tpu.memory_space<hbm>>) target_semaphore(%run_scoped3A : memref<!tpu.dma_semaphore, #tpu.memory_space<semaphore_mem>>)
      %dma_wait3A = arith.constant 0 : i32
      %dma_wait3A_15 = tpu.memref_slice %arg6[%arg0, %mul3A_2, %dma_wait3A] : memref<2x10240x128xf32, #tpu.memory_space<hbm>> -> memref<1x640x128xf32, #tpu.memory_space<hbm>>
      %dma_wait3A_16 = tpu.memref_squeeze %dma_wait3A_15 : memref<1x640x128xf32, #tpu.memory_space<hbm>> -> memref<640x128xf32, #tpu.memory_space<hbm>>
      %dma_wait3A_17 = arith.constant 0 : i32
      %dma_wait3A_18 = tpu.memref_slice %arg7[%mul3A_2, %dma_wait3A_17] : memref<10240x128xf32, #tpu.memory_space<vmem_shared>> -> memref<640x128xf32, #tpu.memory_space<vmem_shared>>
      tpu.wait_dma2 semaphore(%run_scoped3A : memref<!tpu.dma_semaphore, #tpu.memory_space<semaphore_mem>>) src(%dma_wait3A_18 : memref<640x128xf32, #tpu.memory_space<vmem_shared>>) dst(%dma_wait3A_16 : memref<640x128xf32, #tpu.memory_space<hbm>>)
      tpu.yield
    }) : () -> ()
    return
  }
}

module attributes {stable_mosaic.version = 14 : i64} {
  func.func @_tc1_body(%arg0: i32, %arg1: memref<256x128xf32, #tpu.memory_space<vmem>>, %arg2: memref<128x128xf32, #tpu.memory_space<vmem>>, %arg3: memref<256x16xf32, #tpu.memory_space<vmem>>, %arg4: memref<256x16xf32, #tpu.memory_space<vmem>>, %arg5: memref<256x128xf32, #tpu.memory_space<vmem>>) attributes {dimension_semantics = [#tpu.dimension_semantics<arbitrary>], iteration_bounds = array<i64: 40>, scalar_prefetch = 0 : i64, scratch_operands = 0 : i64, tpu.core_type = #tpu.core_type<tc>, window_params = [{transform_indices = @transform_0, window_bounds = array<i64: 256, 128>}, {pipeline_mode = #tpu.pipeline_mode<synchronous>, transform_indices = @transform_1, window_bounds = array<i64: 128, 128>}, {transform_indices = @transform_2, window_bounds = array<i64: 256, 16>}, {transform_indices = @transform_3, window_bounds = array<i64: 256, 16>}, {transform_indices = @transform_4, window_bounds = array<i64: 256, 128>}]} {
    %get3A = arith.constant 0 : index
    %get3A_0 = arith.constant 0 : index
    %get3A_1 = vector.load %arg3[%get3A, %get3A_0] : memref<256x16xf32, #tpu.memory_space<vmem>>, vector<256x1xf32>
    %get3A_2 = arith.constant 0 : index
    %get3A_3 = arith.constant 0 : index
    %get3A_4 = vector.load %arg4[%get3A_2, %get3A_3] : memref<256x16xf32, #tpu.memory_space<vmem>>, vector<256x1xf32>
    %add3A = arith.addf %get3A_1, %get3A_4 : vector<256x1xf32>
    %add3A_5 = arith.constant 1.000000e+00 : f32
    %add3A_6 = vector.broadcast %add3A_5 : f32 to vector<256x1xf32>
    %add3A_7 = arith.addf %add3A, %add3A_6 : vector<256x1xf32>
    %rsqrt3A = math.rsqrt %add3A_7 : vector<256x1xf32>
    %get3A_8 = arith.constant 0 : index
    %get3A_9 = arith.constant 0 : index
    %get3A_10 = vector.load %arg1[%get3A_8, %get3A_9] : memref<256x128xf32, #tpu.memory_space<vmem>>, vector<256x128xf32>
    %get3A_11 = arith.constant 0 : index
    %get3A_12 = arith.constant 0 : index
    %get3A_13 = vector.load %arg2[%get3A_11, %get3A_12] : memref<128x128xf32, #tpu.memory_space<vmem>>, vector<128x128xf32>
    %dot_general3A = arith.constant dense<0.000000e+00> : vector<256x128xf32>
    %dot_general3A_14 = tpu.matmul %get3A_10, %get3A_13, %dot_general3A {dimension_numbers = #tpu.dot_dimension_numbers<[1], [0], [0], [1], [0, 0, 1, 1], [], []>, transpose_lhs_hint = false} : vector<256x128xf32>, vector<128x128xf32>, vector<256x128xf32> -> vector<256x128xf32>
    %mul3A = vector.broadcast %rsqrt3A : vector<256x1xf32> to vector<256x128xf32>
    %mul3A_15 = arith.mulf %dot_general3A_14, %mul3A : vector<256x128xf32>
    %swap3A = arith.constant 0 : index
    %swap3A_16 = arith.constant 0 : index
    %swap3A_17 = vector.load %arg5[%swap3A, %swap3A_16] : memref<256x128xf32, #tpu.memory_space<vmem>>, vector<256x128xf32>
    tpu.vector_store %arg5[%swap3A, %swap3A_16], %mul3A_15 {strides = array<i32>} : memref<256x128xf32, #tpu.memory_space<vmem>>, vector<256x128xf32>,
    return
  }
  func.func @transform_0(%arg0: i32) -> (i32, i32) {
    %c0_i32 = arith.constant 0 : i32
    %c0_i32_0 = arith.constant 0 : i32
    return %arg0, %c0_i32 : i32, i32
  }
  func.func @transform_1(%arg0: i32) -> (i32, i32) {
    %c0_i32 = arith.constant 0 : i32
    %c0_i32_0 = arith.constant 0 : i32
    %c0_i32_1 = arith.constant 0 : i32
    return %c0_i32, %c0_i32_0 : i32, i32
  }
  func.func @transform_2(%arg0: i32) -> (i32, i32) {
    %c0_i32 = arith.constant 0 : i32
    %c0_i32_0 = arith.constant 0 : i32
    return %arg0, %c0_i32 : i32, i32
  }
  func.func @transform_3(%arg0: i32) -> (i32, i32) {
    %c0_i32 = arith.constant 0 : i32
    %c0_i32_0 = arith.constant 0 : i32
    return %arg0, %c0_i32 : i32, i32
  }
  func.func @transform_4(%arg0: i32) -> (i32, i32) {
    %c0_i32 = arith.constant 0 : i32
    %c0_i32_0 = arith.constant 0 : i32
    return %arg0, %c0_i32 : i32, i32
  }
}

module attributes {stable_mosaic.version = 14 : i64} {
  func.func @_tc2_body(%arg0: i32, %arg1: memref<256x128xf32, #tpu.memory_space<vmem>>, %arg2: memref<256x128xf32, #tpu.memory_space<vmem>>, %arg3: memref<256x128xf32, #tpu.memory_space<vmem>>, %arg4: memref<256x16xf32, #tpu.memory_space<vmem>>, %arg5: memref<256x16xf32, #tpu.memory_space<vmem>>, %arg6: memref<1x128xf32, #tpu.memory_space<vmem>>, %arg7: memref<128x128xf32, #tpu.memory_space<vmem>>, %arg8: memref<256x128xf32, #tpu.memory_space<vmem>>, %arg9: memref<256x128xf32, #tpu.memory_space<vmem>>) attributes {dimension_semantics = [#tpu.dimension_semantics<arbitrary>], iteration_bounds = array<i64: 40>, scalar_prefetch = 0 : i64, scratch_operands = 0 : i64, tpu.core_type = #tpu.core_type<tc>, window_params = [{transform_indices = @transform_0, window_bounds = array<i64: 256, 128>}, {transform_indices = @transform_1, window_bounds = array<i64: 256, 128>}, {transform_indices = @transform_2, window_bounds = array<i64: 256, 128>}, {transform_indices = @transform_3, window_bounds = array<i64: 256, 16>}, {transform_indices = @transform_4, window_bounds = array<i64: 256, 16>}, {pipeline_mode = #tpu.pipeline_mode<synchronous>, transform_indices = @transform_5, window_bounds = array<i64: 1, 128>}, {pipeline_mode = #tpu.pipeline_mode<synchronous>, transform_indices = @transform_6, window_bounds = array<i64: 128, 128>}, {transform_indices = @transform_7, window_bounds = array<i64: 256, 128>}, {transform_indices = @transform_8, window_bounds = array<i64: 256, 128>}]} {
    %get3A = arith.constant 0 : index
    %get3A_0 = arith.constant 0 : index
    %get3A_1 = vector.load %arg4[%get3A, %get3A_0] : memref<256x16xf32, #tpu.memory_space<vmem>>, vector<256x1xf32>
    %get3A_2 = arith.constant 0 : index
    %get3A_3 = arith.constant 0 : index
    %get3A_4 = vector.load %arg5[%get3A_2, %get3A_3] : memref<256x16xf32, #tpu.memory_space<vmem>>, vector<256x1xf32>
    %add3A = arith.addf %get3A_1, %get3A_4 : vector<256x1xf32>
    %add3A_5 = arith.constant 1.000000e+00 : f32
    %add3A_6 = vector.broadcast %add3A_5 : f32 to vector<256x1xf32>
    %add3A_7 = arith.addf %add3A, %add3A_6 : vector<256x1xf32>
    %rsqrt3A = math.rsqrt %add3A_7 : vector<256x1xf32>
    %get3A_8 = arith.constant 0 : index
    %get3A_9 = arith.constant 0 : index
    %get3A_10 = vector.load %arg1[%get3A_8, %get3A_9] : memref<256x128xf32, #tpu.memory_space<vmem>>, vector<256x128xf32>
    %get3A_11 = arith.constant 0 : index
    %get3A_12 = arith.constant 0 : index
    %get3A_13 = vector.load %arg2[%get3A_11, %get3A_12] : memref<256x128xf32, #tpu.memory_space<vmem>>, vector<256x128xf32>
    %add3A_14 = arith.addf %get3A_10, %get3A_13 : vector<256x128xf32>
    %get3A_15 = arith.constant 0 : index
    %get3A_16 = arith.constant 0 : index
    %get3A_17 = vector.load %arg3[%get3A_15, %get3A_16] : memref<256x128xf32, #tpu.memory_space<vmem>>, vector<256x128xf32>
    %add3A_18 = arith.addf %add3A_14, %get3A_17 : vector<256x128xf32>
    %mul3A = vector.broadcast %rsqrt3A : vector<256x1xf32> to vector<256x128xf32>
    %mul3A_19 = arith.mulf %add3A_18, %mul3A : vector<256x128xf32>
    %get3A_20 = arith.constant 0 : index
    %get3A_21 = arith.constant 0 : index
    %get3A_22 = vector.load %arg6[%get3A_20, %get3A_21] : memref<1x128xf32, #tpu.memory_space<vmem>>, vector<1x128xf32>
    %add3A_23 = vector.broadcast %get3A_22 : vector<1x128xf32> to vector<256x128xf32>
    %add3A_24 = arith.addf %mul3A_19, %add3A_23 : vector<256x128xf32>
    %max3A = arith.constant 0.000000e+00 : f32
    %max3A_25 = vector.broadcast %max3A : f32 to vector<256x128xf32>
    %max3A_26 = arith.maximumf %add3A_24, %max3A_25 : vector<256x128xf32>
    %swap3A = arith.constant 0 : index
    %swap3A_27 = arith.constant 0 : index
    %swap3A_28 = vector.load %arg8[%swap3A, %swap3A_27] : memref<256x128xf32, #tpu.memory_space<vmem>>, vector<256x128xf32>
    tpu.vector_store %arg8[%swap3A, %swap3A_27], %max3A_26 {strides = array<i32>} : memref<256x128xf32, #tpu.memory_space<vmem>>, vector<256x128xf32>,
    %get3A_29 = arith.constant 0 : index
    %get3A_30 = arith.constant 0 : index
    %get3A_31 = vector.load %arg7[%get3A_29, %get3A_30] : memref<128x128xf32, #tpu.memory_space<vmem>>, vector<128x128xf32>
    %dot_general3A = arith.constant dense<0.000000e+00> : vector<256x128xf32>
    %dot_general3A_32 = tpu.matmul %max3A_26, %get3A_31, %dot_general3A {dimension_numbers = #tpu.dot_dimension_numbers<[1], [0], [0], [1], [0, 0, 1, 1], [], []>, transpose_lhs_hint = false} : vector<256x128xf32>, vector<128x128xf32>, vector<256x128xf32> -> vector<256x128xf32>
    %mul3A_33 = vector.broadcast %rsqrt3A : vector<256x1xf32> to vector<256x128xf32>
    %mul3A_34 = arith.mulf %dot_general3A_32, %mul3A_33 : vector<256x128xf32>
    %swap3A_35 = arith.constant 0 : index
    %swap3A_36 = arith.constant 0 : index
    %swap3A_37 = vector.load %arg9[%swap3A_35, %swap3A_36] : memref<256x128xf32, #tpu.memory_space<vmem>>, vector<256x128xf32>
    tpu.vector_store %arg9[%swap3A_35, %swap3A_36], %mul3A_34 {strides = array<i32>} : memref<256x128xf32, #tpu.memory_space<vmem>>, vector<256x128xf32>,
    return
  }
  func.func @transform_0(%arg0: i32) -> (i32, i32) {
    %c0_i32 = arith.constant 0 : i32
    %c0_i32_0 = arith.constant 0 : i32
    return %arg0, %c0_i32 : i32, i32
  }
  func.func @transform_1(%arg0: i32) -> (i32, i32) {
    %c0_i32 = arith.constant 0 : i32
    %c0_i32_0 = arith.constant 0 : i32
    return %arg0, %c0_i32 : i32, i32
  }
  func.func @transform_2(%arg0: i32) -> (i32, i32) {
    %c0_i32 = arith.constant 0 : i32
    %c0_i32_0 = arith.constant 0 : i32
    return %arg0, %c0_i32 : i32, i32
  }
  func.func @transform_3(%arg0: i32) -> (i32, i32) {
    %c0_i32 = arith.constant 0 : i32
    %c0_i32_0 = arith.constant 0 : i32
    return %arg0, %c0_i32 : i32, i32
  }
  func.func @transform_4(%arg0: i32) -> (i32, i32) {
    %c0_i32 = arith.constant 0 : i32
    %c0_i32_0 = arith.constant 0 : i32
    return %arg0, %c0_i32 : i32, i32
  }
  func.func @transform_5(%arg0: i32) -> (i32, i32) {
    %c0_i32 = arith.constant 0 : i32
    %c0_i32_0 = arith.constant 0 : i32
    %c0_i32_1 = arith.constant 0 : i32
    return %c0_i32, %c0_i32_0 : i32, i32
  }
  func.func @transform_6(%arg0: i32) -> (i32, i32) {
    %c0_i32 = arith.constant 0 : i32
    %c0_i32_0 = arith.constant 0 : i32
    %c0_i32_1 = arith.constant 0 : i32
    return %c0_i32, %c0_i32_0 : i32, i32
  }
  func.func @transform_7(%arg0: i32) -> (i32, i32) {
    %c0_i32 = arith.constant 0 : i32
    %c0_i32_0 = arith.constant 0 : i32
    return %arg0, %c0_i32 : i32, i32
  }
  func.func @transform_8(%arg0: i32) -> (i32, i32) {
    %c0_i32 = arith.constant 0 : i32
    %c0_i32_0 = arith.constant 0 : i32
    return %arg0, %c0_i32 : i32, i32
  }
}

module attributes {stable_mosaic.version = 14 : i64} {
  func.func @_tc3_body(%arg0: i32, %arg1: memref<256x128xf32, #tpu.memory_space<vmem>>, %arg2: memref<256x128xf32, #tpu.memory_space<vmem>>, %arg3: memref<256x128xf32, #tpu.memory_space<vmem>>, %arg4: memref<256x128xf32, #tpu.memory_space<vmem>>, %arg5: memref<256x16xf32, #tpu.memory_space<vmem>>, %arg6: memref<256x16xf32, #tpu.memory_space<vmem>>, %arg7: memref<1x128xf32, #tpu.memory_space<vmem>>, %arg8: memref<128x128xf32, #tpu.memory_space<vmem>>, %arg9: memref<1x128xf32, #tpu.memory_space<vmem>>, %arg10: memref<256x128xf32, #tpu.memory_space<vmem>>) attributes {dimension_semantics = [#tpu.dimension_semantics<arbitrary>], iteration_bounds = array<i64: 40>, scalar_prefetch = 0 : i64, scratch_operands = 0 : i64, tpu.core_type = #tpu.core_type<tc>, window_params = [{transform_indices = @transform_0, window_bounds = array<i64: 256, 128>}, {transform_indices = @transform_1, window_bounds = array<i64: 256, 128>}, {transform_indices = @transform_2, window_bounds = array<i64: 256, 128>}, {transform_indices = @transform_3, window_bounds = array<i64: 256, 128>}, {transform_indices = @transform_4, window_bounds = array<i64: 256, 16>}, {transform_indices = @transform_5, window_bounds = array<i64: 256, 16>}, {pipeline_mode = #tpu.pipeline_mode<synchronous>, transform_indices = @transform_6, window_bounds = array<i64: 1, 128>}, {pipeline_mode = #tpu.pipeline_mode<synchronous>, transform_indices = @transform_7, window_bounds = array<i64: 128, 128>}, {pipeline_mode = #tpu.pipeline_mode<synchronous>, transform_indices = @transform_8, window_bounds = array<i64: 1, 128>}, {transform_indices = @transform_9, window_bounds = array<i64: 256, 128>}]} {
    %get3A = arith.constant 0 : index
    %get3A_0 = arith.constant 0 : index
    %get3A_1 = vector.load %arg5[%get3A, %get3A_0] : memref<256x16xf32, #tpu.memory_space<vmem>>, vector<256x1xf32>
    %get3A_2 = arith.constant 0 : index
    %get3A_3 = arith.constant 0 : index
    %get3A_4 = vector.load %arg6[%get3A_2, %get3A_3] : memref<256x16xf32, #tpu.memory_space<vmem>>, vector<256x1xf32>
    %add3A = arith.addf %get3A_1, %get3A_4 : vector<256x1xf32>
    %add3A_5 = arith.constant 1.000000e+00 : f32
    %add3A_6 = vector.broadcast %add3A_5 : f32 to vector<256x1xf32>
    %add3A_7 = arith.addf %add3A, %add3A_6 : vector<256x1xf32>
    %rsqrt3A = math.rsqrt %add3A_7 : vector<256x1xf32>
    %get3A_8 = arith.constant 0 : index
    %get3A_9 = arith.constant 0 : index
    %get3A_10 = vector.load %arg1[%get3A_8, %get3A_9] : memref<256x128xf32, #tpu.memory_space<vmem>>, vector<256x128xf32>
    %get3A_11 = arith.constant 0 : index
    %get3A_12 = arith.constant 0 : index
    %get3A_13 = vector.load %arg2[%get3A_11, %get3A_12] : memref<256x128xf32, #tpu.memory_space<vmem>>, vector<256x128xf32>
    %add3A_14 = arith.addf %get3A_10, %get3A_13 : vector<256x128xf32>
    %get3A_15 = arith.constant 0 : index
    %get3A_16 = arith.constant 0 : index
    %get3A_17 = vector.load %arg3[%get3A_15, %get3A_16] : memref<256x128xf32, #tpu.memory_space<vmem>>, vector<256x128xf32>
    %add3A_18 = arith.addf %add3A_14, %get3A_17 : vector<256x128xf32>
    %mul3A = vector.broadcast %rsqrt3A : vector<256x1xf32> to vector<256x128xf32>
    %mul3A_19 = arith.mulf %add3A_18, %mul3A : vector<256x128xf32>
    %get3A_20 = arith.constant 0 : index
    %get3A_21 = arith.constant 0 : index
    %get3A_22 = vector.load %arg7[%get3A_20, %get3A_21] : memref<1x128xf32, #tpu.memory_space<vmem>>, vector<1x128xf32>
    %add3A_23 = vector.broadcast %get3A_22 : vector<1x128xf32> to vector<256x128xf32>
    %add3A_24 = arith.addf %mul3A_19, %add3A_23 : vector<256x128xf32>
    %max3A = arith.constant 0.000000e+00 : f32
    %max3A_25 = vector.broadcast %max3A : f32 to vector<256x128xf32>
    %max3A_26 = arith.maximumf %add3A_24, %max3A_25 : vector<256x128xf32>
    %get3A_27 = arith.constant 0 : index
    %get3A_28 = arith.constant 0 : index
    %get3A_29 = vector.load %arg4[%get3A_27, %get3A_28] : memref<256x128xf32, #tpu.memory_space<vmem>>, vector<256x128xf32>
    %add3A_30 = arith.addf %max3A_26, %get3A_29 : vector<256x128xf32>
    %get3A_31 = arith.constant 0 : index
    %get3A_32 = arith.constant 0 : index
    %get3A_33 = vector.load %arg8[%get3A_31, %get3A_32] : memref<128x128xf32, #tpu.memory_space<vmem>>, vector<128x128xf32>
    %dot_general3A = arith.constant dense<0.000000e+00> : vector<256x128xf32>
    %dot_general3A_34 = tpu.matmul %add3A_30, %get3A_33, %dot_general3A {dimension_numbers = #tpu.dot_dimension_numbers<[1], [0], [0], [1], [0, 0, 1, 1], [], []>, transpose_lhs_hint = false} : vector<256x128xf32>, vector<128x128xf32>, vector<256x128xf32> -> vector<256x128xf32>
    %get3A_35 = arith.constant 0 : index
    %get3A_36 = arith.constant 0 : index
    %get3A_37 = vector.load %arg9[%get3A_35, %get3A_36] : memref<1x128xf32, #tpu.memory_space<vmem>>, vector<1x128xf32>
    %add3A_38 = vector.broadcast %get3A_37 : vector<1x128xf32> to vector<256x128xf32>
    %add3A_39 = arith.addf %dot_general3A_34, %add3A_38 : vector<256x128xf32>
    %iota3A = tpu.iota {dimensions = array<i32: 1>} : vector<256x128xi32>
    %lt3A = arith.constant 40 : i32
    %lt3A_40 = vector.broadcast %lt3A : i32 to vector<256x128xi32>
    %lt3A_41 = arith.cmpi slt, %iota3A, %lt3A_40 : vector<256x128xi32>
    %broadcast_in_dim3A = arith.constant -1.000000e+30 : f32
    %broadcast_in_dim3A_42 = vector.broadcast %broadcast_in_dim3A : f32 to vector<256x128xf32>
    %select_n3A = arith.select %lt3A_41, %add3A_39, %broadcast_in_dim3A_42 : vector<256x128xi1>, vector<256x128xf32>
    %reduce_max3A = arith.constant dense<0xFF800000> : vector<256xf32>
    %reduce_max3A_43 = vector.multi_reduction <maximumf>, %select_n3A, %reduce_max3A [1] : vector<256x128xf32> to vector<256xf32>
    %broadcast_in_dim3A_44 = vector.shape_cast %reduce_max3A_43 : vector<256xf32> to vector<256x1xf32>
    %sub3A = vector.broadcast %broadcast_in_dim3A_44 : vector<256x1xf32> to vector<256x128xf32>
    %sub3A_45 = arith.subf %add3A_39, %sub3A : vector<256x128xf32>
    %exp3A = math.exp %sub3A_45 : vector<256x128xf32>
    %jit3A = arith.constant 0.000000e+00 : f32
    %broadcast_in_dim3A_46 = vector.broadcast %jit3A : f32 to vector<256x128xf32>
    %select_n3A_47 = arith.select %lt3A_41, %exp3A, %broadcast_in_dim3A_46 : vector<256x128xi1>, vector<256x128xf32>
    %reduce_sum3A = arith.constant dense<0.000000e+00> : vector<256xf32>
    %reduce_sum3A_48 = vector.multi_reduction <add>, %select_n3A_47, %reduce_sum3A [1] : vector<256x128xf32> to vector<256xf32>
    %broadcast_in_dim3A_49 = vector.shape_cast %reduce_sum3A_48 : vector<256xf32> to vector<256x1xf32>
    %log3A = math.log %broadcast_in_dim3A_49 : vector<256x1xf32>
    %sub3A_50 = vector.broadcast %broadcast_in_dim3A_44 : vector<256x1xf32> to vector<256x128xf32>
    %sub3A_51 = arith.subf %add3A_39, %sub3A_50 : vector<256x128xf32>
    %sub3A_52 = vector.broadcast %log3A : vector<256x1xf32> to vector<256x128xf32>
    %sub3A_53 = arith.subf %sub3A_51, %sub3A_52 : vector<256x128xf32>
    %swap3A = arith.constant 0 : index
    %swap3A_54 = arith.constant 0 : index
    %swap3A_55 = vector.load %arg10[%swap3A, %swap3A_54] : memref<256x128xf32, #tpu.memory_space<vmem>>, vector<256x128xf32>
    tpu.vector_store %arg10[%swap3A, %swap3A_54], %sub3A_53 {strides = array<i32>} : memref<256x128xf32, #tpu.memory_space<vmem>>, vector<256x128xf32>,
    return
  }
  func.func @transform_0(%arg0: i32) -> (i32, i32) {
    %c0_i32 = arith.constant 0 : i32
    %c0_i32_0 = arith.constant 0 : i32
    return %arg0, %c0_i32 : i32, i32
  }
  func.func @transform_1(%arg0: i32) -> (i32, i32) {
    %c0_i32 = arith.constant 0 : i32
    %c0_i32_0 = arith.constant 0 : i32
    return %arg0, %c0_i32 : i32, i32
  }
  func.func @transform_2(%arg0: i32) -> (i32, i32) {
    %c0_i32 = arith.constant 0 : i32
    %c0_i32_0 = arith.constant 0 : i32
    return %arg0, %c0_i32 : i32, i32
  }
  func.func @transform_3(%arg0: i32) -> (i32, i32) {
    %c0_i32 = arith.constant 0 : i32
    %c0_i32_0 = arith.constant 0 : i32
    return %arg0, %c0_i32 : i32, i32
  }
  func.func @transform_4(%arg0: i32) -> (i32, i32) {
    %c0_i32 = arith.constant 0 : i32
    %c0_i32_0 = arith.constant 0 : i32
    return %arg0, %c0_i32 : i32, i32
  }
  func.func @transform_5(%arg0: i32) -> (i32, i32) {
    %c0_i32 = arith.constant 0 : i32
    %c0_i32_0 = arith.constant 0 : i32
    return %arg0, %c0_i32 : i32, i32
  }
  func.func @transform_6(%arg0: i32) -> (i32, i32) {
    %c0_i32 = arith.constant 0 : i32
    %c0_i32_0 = arith.constant 0 : i32
    %c0_i32_1 = arith.constant 0 : i32
    return %c0_i32, %c0_i32_0 : i32, i32
  }
  func.func @transform_7(%arg0: i32) -> (i32, i32) {
    %c0_i32 = arith.constant 0 : i32
    %c0_i32_0 = arith.constant 0 : i32
    %c0_i32_1 = arith.constant 0 : i32
    return %c0_i32, %c0_i32_0 : i32, i32
  }
  func.func @transform_8(%arg0: i32) -> (i32, i32) {
    %c0_i32 = arith.constant 0 : i32
    %c0_i32_0 = arith.constant 0 : i32
    %c0_i32_1 = arith.constant 0 : i32
    return %c0_i32, %c0_i32_0 : i32, i32
  }
  func.func @transform_9(%arg0: i32) -> (i32, i32) {
    %c0_i32 = arith.constant 0 : i32
    %c0_i32_0 = arith.constant 0 : i32
    return %arg0, %c0_i32 : i32, i32
  }
}

</mosaic_0001>

<sc_bundles>
// kernel: kernel.11.cloned.1.call-start
scs
__scs_entry_jumppad:
0x0: {  	(pc) =	sbr.rel $0x88, $3  }
0x1: {  	(tag) =	ssettag $0x0;
	lr =	simm.s32 $0x1  }
0x2: {  	[smem:$0x3F99] =	sst lr;
	_ =	strace $0xD0000000  }
0x3: {  	_ = 	snop  }
0x4: {  	_ = 	snop  }
0x5: {  	_ = 	snop  }
0x6: {  	_ = 	snop  }
0x7: {  	_ = 	snop  }
__scs_overlays_trampoline_lowered:
0x8: {  	[smem:$0x3FA8] =	sst s0  }
0x9: {  	[smem:$0x3FA9] =	sst s1  }
0xa: {  	[smem:$0x3FAA] =	sst s2  }
0xb: {  	[smem:$0x3FAB] =	sst s3  }
0xc: {  	[smem:$0x3FAC] =	sst s4  }
0xd: {  	[smem:$0x3FAD] =	sst s5  }
0xe: {  	[smem:$0x3FAE] =	sst s6  }
0xf: {  	[smem:$0x3FAF] =	sst s7  }
0x10: {  	[smem:$0x3FB0] =	sst s8  }
0x11: {  	[smem:$0x3FB1] =	sst s9;
	s0 =	simm.s32 @!p0 $0x0  }
0x12: {  	s1 =	sld [smem:$0x3F97];
	s0 =	simm.s32 @p0 $0x1  }
0x13: {  	[smem:$0x3FB2] =	sst s0;
	s0 =	simm.s32 @!p1 $0x0  }
0x14: {  	s2 =	sld [smem:$0x3F96];
	s0 =	simm.s32 @p1 $0x1  }
0x15: {  	[smem:$0x3FB3] =	sst s0;
	s0 =	simm.s32 @!p2 $0x0  }
0x16: {  	s3 =	sld [smem:$0x3FDB];
	s0 =	simm.s32 @p2 $0x1  }
0x17: {  	s4 =	simm.s32 $0x1BF5;
	[smem:$0x3FB5] =	sst s0  }
0x18: {  	s0 =	sld [smem:$0x3F98];
	_ =	swait.ge [sflag:s4], $0x0  }
0x19: {  	s7 =	sld [smem:$0x3F99]  }
0x1a: {  	s8 =	sadd.s32 $0xFFFFE003, lr  }
0x1b: {  	s9 =	sadd.s32 $0xFFFFFEF7, lr;
	s5 =	simm.s32 $0xFFFFFFFF;
	p2 =	slt.u32 s8, $0xFFFFF086  }
0x1c: {  	p1 =	slt.u32 s9, $0xF7A;
	s5 =	simm.s32 @!p2 $0x0  }
0x1d: {  	s5 =	simm.s32 @p1 $0x1;
	p0 =	seq.s32 s7, s2  }
0x1e: {  	s7 =	smul.u32 @!p0 $0xF7A, s2;
	p2 =	seq.s32 @!p0 s5, $0x0  }
0x1f: {  	s9 =	smul.u32 $0xF7A, s1;
	s8 =	simm.s32 @!p0 $0x1BF5;
	p2 =	por !p2, p0  }
0x20: {  	[sflag:s8] =	ssyncset.s32 @!p0 $0xFFFFF086;
	s6 =	sadd.s32 @!p0 s3, s7;
	s7 =	simm.s32 @!p0 $0x108  }
0x21: {  	s3 =	sadd.s32 s3, s9;
	s6 =	sadd.s32 @!p0 $0x88, s6;
	s7 =	simm.s32 @p2 $0x1082  }
0x22: {  	[simem:s7], [sflag:s8] =	dma.local @!p0 [hbm:s6], $0xF7A  }
0x23: {  	s9 =	sor.u32 $0xD0000000, s2;
	s6 =	simm.s32 $0x108;
	_ =	swait.ge @!p0 [sflag:s8], $0x0  }
0x24: {  	s3 =	sadd.s32 $0x88, s3;
	s6 =	simm.s32 @!p1 $0x1082;
	[sflag:s4] =	ssyncset.s32 $0xFFFFF086  }
0x25: {  	[simem:s6], [sflag:s4] =	dma.local [hbm:s3], $0xF7A  }
0x26: {  	[smem:$0x3F99] =	sst s1;
	(tag) =	ssettag s2;
	_ =	strace s9  }
0x27: {  	s1 =	sld [smem:$0x3FA9]  }
0x28: {  	s2 =	sld [smem:$0x3FAA]  }
0x29: {  	s4 =	sld [smem:$0x3FAC]  }
0x2a: {  	p0 =	seq.s32 s5, $0x0;
	s5 =	sld [smem:$0x3FAD]  }
0x2b: {  	s6 =	sld [smem:$0x3FAE]  }
0x2c: {  	s7 =	sld [smem:$0x3FAF]  }
0x2d: {  	s3 =	simm.s32 $0x108;
	s8 =	sld [smem:$0x3FB0]  }
0x2e: {  	s3 =	simm.s32 @!p0 $0x1082;
	s9 =	sld [smem:$0x3FB1]  }
0x2f: {  	lr =	sadd.s32 s0, s3;
	s0 =	sld [smem:$0x3FA8]  }
0x30: {  	s3 =	sld [smem:$0x3FAB]  }
0x31: {  	[smem:$0x3FB4] =	sst s10  }
0x32: {  	s10 =	sld [smem:$0x3FB2];
	_ =	sdelay $0x3  }
0x33: {  	p0 =	seq.s32 s10, $0x1;
	s10 =	sld [smem:$0x3FB4];
	_ =	sdelay $0x3  }
0x34: {  	[smem:$0x3FB4] =	sst s10  }
0x35: {  	s10 =	sld [smem:$0x3FB3];
	_ =	sdelay $0x3  }
0x36: {  	p1 =	seq.s32 s10, $0x1;
	s10 =	sld [smem:$0x3FB4];
	_ =	sdelay $0x3  }
0x37: {  	[smem:$0x3FB4] =	sst s10  }
0x38: {  	s10 =	sld [smem:$0x3FB5]  }
0x39: {  	_ = 	snop;
	(pc) =	sbr.ind lr, $3  }
0x3a: {  	_ = 	snop  }
0x3b: {  	_ = 	snop  }
0x3c: {  	p2 =	seq.s32 s10, $0x1;
	s10 =	sld [smem:$0x3FB4]  }
0x3d: {  	_ =	shalt  }
0x3e: {  	_ =	shalt  }
0x3f: {  	_ =	shalt  }
0x40: {  	_ =	shalt  }
0x41: {  	_ =	shalt  }
0x42: {  	_ =	shalt  }
0x43: {  	_ =	shalt  }
0x44: {  	_ =	shalt  }
0x45: {  	_ =	shalt  }
0x46: {  	_ =	shalt  }
0x47: {  	_ =	shalt  }
0x48: {  	_ =	shalt  }
0x49: {  	_ =	shalt  }
0x4a: {  	_ =	shalt  }
0x4b: {  	_ =	shalt  }
0x4c: {  	_ =	shalt  }
0x4d: {  	_ =	shalt  }
0x4e: {  	_ =	shalt  }
0x4f: {  	_ =	shalt  }
0x50: {  	_ =	shalt  }
0x51: {  	_ =	shalt  }
0x52: {  	_ =	shalt  }
0x53: {  	_ =	shalt  }
0x54: {  	_ =	shalt  }
0x55: {  	_ =	shalt  }
0x56: {  	_ =	shalt  }
0x57: {  	_ =	shalt  }
0x58: {  	_ =	shalt  }
0x59: {  	_ =	shalt  }
0x5a: {  	_ =	shalt  }
0x5b: {  	_ =	shalt  }
0x5c: {  	_ =	shalt  }
0x5d: {  	_ =	shalt  }
0x5e: {  	_ =	shalt  }
0x5f: {  	_ =	shalt  }
0x60: {  	_ =	shalt  }
0x61: {  	_ =	shalt  }
0x62: {  	_ =	shalt  }
0x63: {  	_ =	shalt  }
0x64: {  	_ =	shalt  }
0x65: {  	_ =	shalt  }
0x66: {  	_ =	shalt  }
0x67: {  	_ =	shalt  }
0x68: {  	_ =	shalt  }
0x69: {  	_ =	shalt  }
0x6a: {  	_ =	shalt  }
0x6b: {  	_ =	shalt  }
0x6c: {  	_ =	shalt  }
0x6d: {  	_ =	shalt  }
0x6e: {  	_ =	shalt  }
0x6f: {  	_ =	shalt  }
0x70: {  	_ =	shalt  }
0x71: {  	_ =	shalt  }
0x72: {  	_ =	shalt  }
0x73: {  	_ =	shalt  }
0x74: {  	_ =	shalt  }
0x75: {  	_ =	shalt  }
0x76: {  	_ =	shalt  }
0x77: {  	_ =	shalt  }
0x78: {  	_ =	shalt  }
0x79: {  	_ =	shalt  }
0x7a: {  	_ =	shalt  }
0x7b: {  	_ =	shalt  }
0x7c: {  	_ =	shalt  }
0x7d: {  	_ =	shalt  }
0x7e: {  	_ =	shalt  }
0x7f: {  	_ =	shalt  }
0x80: {  	_ =	shalt  }
0x81: {  	_ =	shalt  }
0x82: {  	_ =	shalt  }
0x83: {  	_ =	shalt  }
0x84: {  	_ =	shalt  }
0x85: {  	_ =	shalt  }
0x86: {  	_ =	shalt  }
0x87: {  	_ =	shalt  }
.Lfunc_end0:
.L_simem_size_0:
called_computation.1_lowered:
.L_overlay_start_0:
0x88: {  	s2 =	sld [smem:$0x3FD9]  }
0x89: {  	s3 =	sld [smem:$0x3FFE];
	_ =	sdelay $0x1  }
0x8a: {  	s1 =	srdreg.scid  }
0x8b: {  	s0 =	sand.u32 $0x1, s1  }
0x8c: {  	s14 =	sshll.u32 s0, $0xA;
	s2 =	sadd.s32 s3, s2  }
0x8d: {  	s2 =	sadd.s32 s2, s14  }
0x8e: {  	[smem:$0x3FC0] =	sst s2  }
0x8f: {  	_ = 	snop  }
0x90: {  	s2 =	sld [smem:$0x3FD0];
	_ =	sdelay $0x2  }
0x91: {  	s15 =	simm.s32 $0xA;
	s4 =	simm.s32 $0x10  }
0x92: {  	[smem:s4], [sflag:s15] =	dma.local [hbm:s2], $0x1  }
0x93: {  	_ =	swait.eq [sflag:s15], $0x1  }
0x94: {  	[sflag:s15] =	ssyncset.done $0x0  }
0x95: {  	s16 =	sld [smem:$0x10];
	[sflag:s15] =	ssyncadd.s32 $0xFFFFFFFF  }
0x96: {  	s17 =	sld [smem:$0x11];
	(tm) =	ssettm $0x1  }
0x97: {  	s18 =	sld [smem:$0x3FFB];
	_ =	sdelay $0x3  }
0x98: {  	_ =	strace s18  }
0x99: {  	s4 =	sld [smem:$0x3FFC];
	_ =	sdelay $0x3  }
0x9a: {  	_ =	strace s4  }
0x9b: {  	s4 =	sld [smem:$0x3FFD];
	_ =	sdelay $0x3  }
0x9c: {  	_ =	strace s4  }
0x9d: {  	_ =	strace $0x8FFFFFFF  }
0x9e: {  	s19 =	sld [smem:$0x3FDB];
	_ =	sdelay $0x1  }
0x9f: {  	s5 =	simm.s32 $_scs_section_size  }
0xa0: {  	s6 =	simm.s32 $_size__tile_overlayer_lowered;
	s7 =	simm.s32 $_tile_overlayer_lowered  }
0xa1: {  	s22 =	simm.s32 $0x1BFF;
	s21 =	sshll.u32 s7, $0x1;
	s4 =	sadd.s32 s5, s19  }
0xa2: {  	s8 =	simm.s32 $0x0;
	s20 =	sshll.u32 s6, $0x1;
	s6 =	sadd.s32 s21, s4  }
0xa3: {  	[timem:s8], [sflag:s22] =	dma.local [hbm:s6], s20  }
0xa4: {  	_ =	swait.ge [sflag:s22], s20  }
0xa5: {  	s5 =	ssub.s32 $0x0, s20;
	[sflag:s22] =	ssyncset.done $0x0  }
0xa6: {  	[sflag:s22] =	ssyncadd.s32 s5;
	_ =	sdelay $0x1  }
0xa7: {  	s23 =	simm.s32 $0x1B8B  }
0xa8: {  	_ =	swait.ge [sflag:s23], $0x1  }
0xa9: {  	[sflag:s23] =	ssyncset.done $0x0  }
0xaa: {  	s25 =	simm.s32 $0x1B8E;
	s24 =	sld [smem:$0x3FFE];
	[sflag:s23] =	ssyncadd.s32 $0xFFFFFFFF  }
0xab: {  	s26 =	simm.s32 $execute0_lowered;
	[smem:$0x3FD2] =	sst s25  }
0xac: {  	s6 =	sshll.u32 s26, $0x1;
	_ =	strace $0x80000049;
	[dreg:$0x1] =	wrdreg $0xFFFFFFFF  }
0xad: {  	s28 =	simm.s32 $_size_execute0_lowered;
	s4 =	sadd.s32 s4, s6;
	[dreg:$0x0] =	wrdreg $0x0  }
0xae: {  	s6 =	sshll.u32 s28, $0x1;
	[dreg:$0x2] =	wrdreg s4  }
0xaf: {  	[dreg:$0x3] =	wrdreg s6  }
0xb0: {  	[dreg:$0x4] =	wrdreg $0xC0  }
0xb1: {  	_ =	task [dreg:s8], $0x5FFFF  }
0xb2: {  	[dreg:$0x1] =	wrdreg $0xFFFFFFFF  }
0xb3: {  	[dreg:$0x0] =	wrdreg $0x60  }
0xb4: {  	[dreg:$0x2] =	wrdreg s24  }
0xb5: {  	[dreg:$0x3] =	wrdreg s17  }
0xb6: {  	[dreg:$0x4] =	wrdreg s16  }
0xb7: {  	[dreg:$0x5] =	wrdreg $0x0  }
0xb8: {  	[dreg:$0x6] =	wrdreg $0x9  }
0xb9: {  	_ =	task.clear_ibuf [dreg:s8], $0x7FFFF;
	_ =	strace $0x90000049  }
0xba: {  	s29 =	simm.s32 $0x9;
	_ =	strace $0x8000004B  }
0xbb: {  	_ =	swait.ge [sflag:s29], $0x1  }
0xbc: {  	[sflag:s29] =	ssyncadd.s32 $0xFFFFFFFF  }
0xbd: {  	_ =	strace $0x9000004B  }
0xbe: {  	_ =	sfence  }
0xbf: {  	s30 =	sld [smem:$0x0];
	_ =	sdelay $0x2  }
0xc0: {  	s31 =	sshll.u32 s1, $0xD;
	s1 =	sshrl.u32 s1, $0x2  }
0xc1: {  	s3 =	sand.u32 $0x4000, s31;
	s1 =	sadd.s32 s1, s30  }
0xc2: {  	s0 =	sor.u32 s3, s0;
	s1 =	sshll.u32 s1, $0x11  }
0xc3: {  	s0 =	sor.u32 s1, s0  }
0xc4: {  	s0 =	sadd.s32 $0x8F2B, s0  }
0xc5: {  	[sflag:s0] =	ssyncadd.remote.s32 $0x1  }
0xc6: {  	_ =	sfence.sel $0xFFFF  }
0xc7: {  	[dreg:$0x0] =	wrdreg $0xFFFFFFFF;
	(pc) =	sbr.abs _section_cstart, $3  }
0xc8: {  	[dreg:$0x1] =	wrdreg $0xFFFFFFFF  }
0xc9: {  	_ =	task.clear_ibuf [dreg:s8], $0x2FFFF;
	_ =	strace $0x9FFFFFFF  }
0xca: {  	(tm) =	ssettm $0x7FFFFFFF  }
0xcb: {  	_ =	shalt  }
tec
execute0_lowered:
.L_overlay_start_1:
0x0: {  	(tag) =	ssettag $0x1  }
0x1: {  	s6 =	rddreg [dreg:$0x0]  }
0x2: {  	s10 =	rddreg [dreg:$0x1]  }
0x3: {  	s9 =	rddreg [dreg:$0x2]  }
0x4: {  	s2 =	rddreg [dreg:$0x3]  }
0x5: {  	s0 =	rddreg [dreg:$0x4];
	s4 =	srdreg.scid  }
0x6: {  	s1 =	stileid.u32;
	s3 =	simm.s32 $0x0;
	s15 =	simm.s32 $0x3  }
0x7: {  	s16 =	simm.s32 $0x1;
	s17 =	simm.s32 $0x140;
	s18 =	simm.s32 $0x14280  }
0x8: {  	s19 =	simm.s32 $0x2;
	s20 =	simm.s32 $0x0;
	s8 =	smul.u32 $0x14000, s1  }
0x9: {  	s7 =	sand.u32 $0x1, s4;
	[smem:$0x7FF] =	sst s3;
	s14 =	smul.u32 $0x2800, s1  }
0xa: {  	s4 =	sadd.s32 $0x52800, s6;
	s5 =	sadd.s32 $0x7A800, s6;
	s11 =	smul.u32 $0x140000, s7  }
0xb: {  	s29 =	sshll.u32 s1, $0x6;
	s12 =	ssub.s32 $0x2, s7;
	s7 =	smul.u32 $0x28000, s7  }
0xc: {  	_ =	strace $0x8000004A;
	s13 =	sshrl.u32 s12, $0x1;
	s30 =	sadd.s32 s8, s2  }
0xd: {  	s11 =	sadd.s32 s8, s11;
	s12 =	ssub.s32 s12, s13;
	s14 =	sadd.s32 s14, s7  }
0xe: {  	s13 =	simm.s32 $0x14000;
	s11 =	sshrl.u32 s11, $0x3;
	s8 =	smax.u32 s12, $0x1  }
0xf: {  	s31 =	sshrl.u32 s14, $0x3;
	s12 =	simm.s32 $0x4;
	s14 =	simm.s32 $0x14140  }
0x10: {  	s11 =	sadd.s32 s11, s6;
	s6 =	sor.u32 $0x1C04, s29;
	s9 =	sadd.s32 s31, s9  }
0x11: {  	s10 =	sadd.s32 s31, s10;
	s7 =	sadd.s32 $0x7D000, s11;
	s11 =	sshrl.u32 s30, $0x3  }
.LBB2_1:
0x12: {  	[spmem:s11], [sflag:s6] =	dma.local [hbm:s5], $0x2800  }
0x13: {  	_ =	swait.ge [sflag:s12], $0x2800  }
0x14: {  	[sflag:s12] =	ssyncset.done $0x0  }
0x15: {  	[sflag:s12] =	ssyncadd.s32 $0xFFFFD800  }
0x16: {  	s21 =	sadd.s32 $0x0, s10;
	[bflag:$0x0] =	sbarrier.arrive $0xFFFF  }
0x17: {  	[tilespmem:s13], [sflag:$0x3] =	stream.linear.gather [hbm4b:s21+s3], $0x140, $0x38;
	[tilespmem:$0x1E280] =	vst v63  }
0x18: {  	s31 =	sadd.s32 $0x0, s9  }
0x19: {  	[tilespmem:s14], [sflag:$0x1] =	stream.linear.gather [hbm4b:s31+s3], $0x140, $0x38;
	[tilespmem:$0x1E280] =	vst v63  }
0x1a: {  	_ =	swait.ge [sflag:s15], $0x140  }
0x1b: {  	[sflag:s15] =	ssyncset.done $0x0  }
0x1c: {  	[sflag:s15] =	ssyncadd.s32 $0xFFFFFEC0  }
0x1d: {  	_ =	swait.ge [sflag:s16], $0x140  }
0x1e: {  	[sflag:s16] =	ssyncset.done $0x0  }
0x1f: {  	[sflag:s16] =	ssyncadd.s32 $0xFFFFFEC0  }
0x20: {  	[tilespmem:s18], [sflag:$0x1] =	stream.indirect.gather [hbm4b:s4+s17], $0x80, s13, s17, $0xb8;
	[tilespmem:$0x1E280] =	vst v63  }
0x21: {  	_ =	swait.ge [sflag:s16], $0xA000  }
0x22: {  	[sflag:s16] =	ssyncset.done $0x0  }
0x23: {  	[sflag:s16] =	ssyncadd.s32 $0xFFFF6000  }
0x24: {  	[spmem:s2] =	stream.indirect.scatter.add.f32 [tilespmem:s18], [sflag:$0x2], $0x80, s14, s17, $0xb8;
	[tilespmem:$0x1E280] =	vst v63  }
0x25: {  	_ =	swait.ge [sflag:s19], $0xA000  }
0x26: {  	s22 =	simm.s32 $0x50;
	s21 =	simm.s32 $0x28;
	[sflag:s19] =	ssyncset.done $0x0  }
.LBB2_2:
0x27: {  	s23 =	sadd.s32 s21, s10  }
0x28: {  	[sflag:s19] =	ssyncadd.s32 $0xFFFF6000;
	s24 =	smov.u32 s22;
	s25 =	sadd.s32 $0x28, s22  }
0x29: {  	[tilespmem:s13], [sflag:$0x3] =	stream.linear.gather [hbm4b:s23+s3], $0x140, $0x38;
	[tilespmem:$0x1E280] =	vst v63  }
0x2a: {  	p0 =	sne.s32 s22, $0x4D8;
	s22 =	sadd.s32 s21, s9;
	s21 =	smov.u32 s24  }
0x2b: {  	[tilespmem:s14], [sflag:$0x1] =	stream.linear.gather [hbm4b:s22+s3], $0x140, $0x38;
	[tilespmem:$0x1E280] =	vst v63  }
0x2c: {  	_ =	swait.ge [sflag:s15], $0x140  }
0x2d: {  	[sflag:s15] =	ssyncset.done $0x0  }
0x2e: {  	[sflag:s15] =	ssyncadd.s32 $0xFFFFFEC0  }
0x2f: {  	_ =	swait.ge [sflag:s16], $0x140  }
0x30: {  	[sflag:s16] =	ssyncset.done $0x0  }
0x31: {  	[sflag:s16] =	ssyncadd.s32 $0xFFFFFEC0  }
0x32: {  	[tilespmem:s18], [sflag:$0x1] =	stream.indirect.gather [hbm4b:s4+s17], $0x80, s13, s17, $0xb8;
	[tilespmem:$0x1E280] =	vst v63  }
0x33: {  	_ =	swait.ge [sflag:s16], $0xA000  }
.Ltmp0:
0x34: {  	[sflag:s16] =	ssyncset.done $0x0;
	(pc) =	sbr.rel @p0 .LBB2_2-.Ltmp0, $4  }
0x35: {  	[sflag:s16] =	ssyncadd.s32 $0xFFFF6000  }
0x36: {  	[spmem:s2] =	stream.indirect.scatter.add.f32 [tilespmem:s18], [sflag:$0x2], $0x80, s14, s17, $0xb8;
	[tilespmem:$0x1E280] =	vst v63  }
0x37: {  	_ =	swait.ge [sflag:s19], $0xA000  }
0x38: {  	s22 =	smov.u32 s25;
	[sflag:s19] =	ssyncset.done $0x0  }
0x39: {  	s22 =	sadd.s32 s21, s10;
	[sflag:s19] =	ssyncadd.s32 $0xFFFF6000  }
0x3a: {  	[tilespmem:s13], [sflag:$0x3] =	stream.linear.gather [hbm4b:s22+s3], $0x140, $0x38;
	[tilespmem:$0x1E280] =	vst v63  }
0x3b: {  	s31 =	sadd.s32 s21, s9  }
0x3c: {  	[tilespmem:s14], [sflag:$0x1] =	stream.linear.gather [hbm4b:s31+s3], $0x140, $0x38;
	[tilespmem:$0x1E280] =	vst v63  }
0x3d: {  	_ =	swait.ge [sflag:s15], $0x140  }
0x3e: {  	[sflag:s15] =	ssyncset.done $0x0  }
0x3f: {  	[sflag:s15] =	ssyncadd.s32 $0xFFFFFEC0  }
0x40: {  	_ =	swait.ge [sflag:s16], $0x140  }
0x41: {  	[sflag:s16] =	ssyncset.done $0x0  }
0x42: {  	[sflag:s16] =	ssyncadd.s32 $0xFFFFFEC0  }
0x43: {  	[tilespmem:s18], [sflag:$0x1] =	stream.indirect.gather [hbm4b:s4+s17], $0x80, s13, s17, $0xb8;
	[tilespmem:$0x1E280] =	vst v63  }
0x44: {  	_ =	swait.ge [sflag:s16], $0xA000  }
0x45: {  	[sflag:s16] =	ssyncset.done $0x0  }
0x46: {  	[sflag:s16] =	ssyncadd.s32 $0xFFFF6000  }
0x47: {  	[spmem:s2] =	stream.indirect.scatter.add.f32 [tilespmem:s18], [sflag:$0x2], $0x80, s14, s17, $0xb8;
	[tilespmem:$0x1E280] =	vst v63  }
0x48: {  	_ =	swait.ge [sflag:s19], $0xA000  }
0x49: {  	s20 =	sadd.s32 $0x1, s20;
	[sflag:s19] =	ssyncset.done $0x0  }
0x4a: {  	p0 =	sne.s32 s20, s8;
	[sflag:s19] =	ssyncadd.s32 $0xFFFF6000  }
.Ltmp1:
0x4b: {  	[bflag:$0x0] =	sbarrier.arrive $0xFFFF;
	(pc) =	sbr.rel @p0 .LBB2_1-.Ltmp1, $4  }
0x4c: {  	[hbm:s7], [sflag:s6] =	dma.local [spmem:s11], $0x2800  }
0x4d: {  	_ =	swait.ge [sflag:s12], $0x2800  }
0x4e: {  	[sflag:s12] =	ssyncset.done $0x0  }
0x4f: {  	[sflag:s12] =	ssyncadd.s32 $0xFFFFD800  }
0x50: {  	_ =	sfence.sel $0x180000  }
0x51: {  	[bflag:$0x0] =	sbarrier.arrive $0xFFFF  }
0x52: {  	p0 =	sne.s32 s1, $0x0;
	_ =	strace $0x9000004A  }
0x53: {  	s0 =	sadd.s32 @!p0 $0x100000, s0;
	[bflag:$0x2] =	sbarrier.arrive $0xFFFF  }
0x54: {  	[sflag:s0] =	ssyncadd.tile.s32 @!p0 $0x1;
	_ =	shalt  }
.Lfunc_end2:
_tile_overlayer_lowered:
.L_overlay_start_2:
0x55: {  	(tag) =	ssettag $0x2  }
0x56: {  	s0 =	rddreg [dreg:$0x0];
	s2 =	stileid.u32  }
0x57: {  	s1 =	rddreg [dreg:$0x1];
	p0 =	sne.s32 s2, $0x0  }
0x58: {  	s3 =	rddreg [dreg:$0x2];
	[bflag:$0x3] =	sbarrier.arrive $0xFFFF;
	s2 =	simm.s32 @!p0 $0x1C04  }
0x59: {  	[timem:s3], [sflag:s2] =	dma.local @!p0 [hbm:s0], s1  }
0x5a: {  	s0 =	simm.s32 @!p0 $0x4  }
0x5b: {  	_ =	swait.ge @!p0 [sflag:s0], s1  }
0x5c: {  	s1 =	ssub.s32 @!p0 $0x0, s1;
	[sflag:s0] =	ssyncset.done @!p0 $0x0  }
0x5d: {  	[sflag:s0] =	ssyncadd.s32 @!p0 s1  }
0x5e: {  	[bflag:$0x3] =	sbarrier.arrive $0xFFFF  }
0x5f: {  	_ =	shalt  }

// kernel: kernel.14.cloned.1.call-start
scs
__scs_entry_jumppad:
0x0: {  	(pc) =	sbr.rel $0x88, $3  }
0x1: {  	(tag) =	ssettag $0x0;
	lr =	simm.s32 $0x1  }
0x2: {  	[smem:$0x3F99] =	sst lr;
	_ =	strace $0xD0000000  }
0x3: {  	_ = 	snop  }
0x4: {  	_ = 	snop  }
0x5: {  	_ = 	snop  }
0x6: {  	_ = 	snop  }
0x7: {  	_ = 	snop  }
__scs_overlays_trampoline_lowered:
0x8: {  	[smem:$0x3FA8] =	sst s0  }
0x9: {  	[smem:$0x3FA9] =	sst s1  }
0xa: {  	[smem:$0x3FAA] =	sst s2  }
0xb: {  	[smem:$0x3FAB] =	sst s3  }
0xc: {  	[smem:$0x3FAC] =	sst s4  }
0xd: {  	[smem:$0x3FAD] =	sst s5  }
0xe: {  	[smem:$0x3FAE] =	sst s6  }
0xf: {  	[smem:$0x3FAF] =	sst s7  }
0x10: {  	[smem:$0x3FB0] =	sst s8  }
0x11: {  	[smem:$0x3FB1] =	sst s9;
	s0 =	simm.s32 @!p0 $0x0  }
0x12: {  	s1 =	sld [smem:$0x3F97];
	s0 =	simm.s32 @p0 $0x1  }
0x13: {  	[smem:$0x3FB2] =	sst s0;
	s0 =	simm.s32 @!p1 $0x0  }
0x14: {  	s2 =	sld [smem:$0x3F96];
	s0 =	simm.s32 @p1 $0x1  }
0x15: {  	[smem:$0x3FB3] =	sst s0;
	s0 =	simm.s32 @!p2 $0x0  }
0x16: {  	s3 =	sld [smem:$0x3FDB];
	s0 =	simm.s32 @p2 $0x1  }
0x17: {  	s4 =	simm.s32 $0x1BF5;
	[smem:$0x3FB5] =	sst s0  }
0x18: {  	s0 =	sld [smem:$0x3F98];
	_ =	swait.ge [sflag:s4], $0x0  }
0x19: {  	s7 =	sld [smem:$0x3F99]  }
0x1a: {  	s8 =	sadd.s32 $0xFFFFE003, lr  }
0x1b: {  	s9 =	sadd.s32 $0xFFFFFEF7, lr;
	s5 =	simm.s32 $0xFFFFFFFF;
	p2 =	slt.u32 s8, $0xFFFFF086  }
0x1c: {  	p1 =	slt.u32 s9, $0xF7A;
	s5 =	simm.s32 @!p2 $0x0  }
0x1d: {  	s5 =	simm.s32 @p1 $0x1;
	p0 =	seq.s32 s7, s2  }
0x1e: {  	s7 =	smul.u32 @!p0 $0xF7A, s2;
	p2 =	seq.s32 @!p0 s5, $0x0  }
0x1f: {  	s9 =	smul.u32 $0xF7A, s1;
	s8 =	simm.s32 @!p0 $0x1BF5;
	p2 =	por !p2, p0  }
0x20: {  	[sflag:s8] =	ssyncset.s32 @!p0 $0xFFFFF086;
	s6 =	sadd.s32 @!p0 s3, s7;
	s7 =	simm.s32 @!p0 $0x108  }
0x21: {  	s3 =	sadd.s32 s3, s9;
	s6 =	sadd.s32 @!p0 $0x88, s6;
	s7 =	simm.s32 @p2 $0x1082  }
0x22: {  	[simem:s7], [sflag:s8] =	dma.local @!p0 [hbm:s6], $0xF7A  }
0x23: {  	s9 =	sor.u32 $0xD0000000, s2;
	s6 =	simm.s32 $0x108;
	_ =	swait.ge @!p0 [sflag:s8], $0x0  }
0x24: {  	s3 =	sadd.s32 $0x88, s3;
	s6 =	simm.s32 @!p1 $0x1082;
	[sflag:s4] =	ssyncset.s32 $0xFFFFF086  }
0x25: {  	[simem:s6], [sflag:s4] =	dma.local [hbm:s3], $0xF7A  }
0x26: {  	[smem:$0x3F99] =	sst s1;
	(tag) =	ssettag s2;
	_ =	strace s9  }
0x27: {  	s1 =	sld [smem:$0x3FA9]  }
0x28: {  	s2 =	sld [smem:$0x3FAA]  }
0x29: {  	s4 =	sld [smem:$0x3FAC]  }
0x2a: {  	p0 =	seq.s32 s5, $0x0;
	s5 =	sld [smem:$0x3FAD]  }
0x2b: {  	s6 =	sld [smem:$0x3FAE]  }
0x2c: {  	s7 =	sld [smem:$0x3FAF]  }
0x2d: {  	s3 =	simm.s32 $0x108;
	s8 =	sld [smem:$0x3FB0]  }
0x2e: {  	s3 =	simm.s32 @!p0 $0x1082;
	s9 =	sld [smem:$0x3FB1]  }
0x2f: {  	lr =	sadd.s32 s0, s3;
	s0 =	sld [smem:$0x3FA8]  }
0x30: {  	s3 =	sld [smem:$0x3FAB]  }
0x31: {  	[smem:$0x3FB4] =	sst s10  }
0x32: {  	s10 =	sld [smem:$0x3FB2];
	_ =	sdelay $0x3  }
0x33: {  	p0 =	seq.s32 s10, $0x1;
	s10 =	sld [smem:$0x3FB4];
	_ =	sdelay $0x3  }
0x34: {  	[smem:$0x3FB4] =	sst s10  }
0x35: {  	s10 =	sld [smem:$0x3FB3];
	_ =	sdelay $0x3  }
0x36: {  	p1 =	seq.s32 s10, $0x1;
	s10 =	sld [smem:$0x3FB4];
	_ =	sdelay $0x3  }
0x37: {  	[smem:$0x3FB4] =	sst s10  }
0x38: {  	s10 =	sld [smem:$0x3FB5]  }
0x39: {  	_ = 	snop;
	(pc) =	sbr.ind lr, $3  }
0x3a: {  	_ = 	snop  }
0x3b: {  	_ = 	snop  }
0x3c: {  	p2 =	seq.s32 s10, $0x1;
	s10 =	sld [smem:$0x3FB4]  }
0x3d: {  	_ =	shalt  }
0x3e: {  	_ =	shalt  }
0x3f: {  	_ =	shalt  }
0x40: {  	_ =	shalt  }
0x41: {  	_ =	shalt  }
0x42: {  	_ =	shalt  }
0x43: {  	_ =	shalt  }
0x44: {  	_ =	shalt  }
0x45: {  	_ =	shalt  }
0x46: {  	_ =	shalt  }
0x47: {  	_ =	shalt  }
0x48: {  	_ =	shalt  }
0x49: {  	_ =	shalt  }
0x4a: {  	_ =	shalt  }
0x4b: {  	_ =	shalt  }
0x4c: {  	_ =	shalt  }
0x4d: {  	_ =	shalt  }
0x4e: {  	_ =	shalt  }
0x4f: {  	_ =	shalt  }
0x50: {  	_ =	shalt  }
0x51: {  	_ =	shalt  }
0x52: {  	_ =	shalt  }
0x53: {  	_ =	shalt  }
0x54: {  	_ =	shalt  }
0x55: {  	_ =	shalt  }
0x56: {  	_ =	shalt  }
0x57: {  	_ =	shalt  }
0x58: {  	_ =	shalt  }
0x59: {  	_ =	shalt  }
0x5a: {  	_ =	shalt  }
0x5b: {  	_ =	shalt  }
0x5c: {  	_ =	shalt  }
0x5d: {  	_ =	shalt  }
0x5e: {  	_ =	shalt  }
0x5f: {  	_ =	shalt  }
0x60: {  	_ =	shalt  }
0x61: {  	_ =	shalt  }
0x62: {  	_ =	shalt  }
0x63: {  	_ =	shalt  }
0x64: {  	_ =	shalt  }
0x65: {  	_ =	shalt  }
0x66: {  	_ =	shalt  }
0x67: {  	_ =	shalt  }
0x68: {  	_ =	shalt  }
0x69: {  	_ =	shalt  }
0x6a: {  	_ =	shalt  }
0x6b: {  	_ =	shalt  }
0x6c: {  	_ =	shalt  }
0x6d: {  	_ =	shalt  }
0x6e: {  	_ =	shalt  }
0x6f: {  	_ =	shalt  }
0x70: {  	_ =	shalt  }
0x71: {  	_ =	shalt  }
0x72: {  	_ =	shalt  }
0x73: {  	_ =	shalt  }
0x74: {  	_ =	shalt  }
0x75: {  	_ =	shalt  }
0x76: {  	_ =	shalt  }
0x77: {  	_ =	shalt  }
0x78: {  	_ =	shalt  }
0x79: {  	_ =	shalt  }
0x7a: {  	_ =	shalt  }
0x7b: {  	_ =	shalt  }
0x7c: {  	_ =	shalt  }
0x7d: {  	_ =	shalt  }
0x7e: {  	_ =	shalt  }
0x7f: {  	_ =	shalt  }
0x80: {  	_ =	shalt  }
0x81: {  	_ =	shalt  }
0x82: {  	_ =	shalt  }
0x83: {  	_ =	shalt  }
0x84: {  	_ =	shalt  }
0x85: {  	_ =	shalt  }
0x86: {  	_ =	shalt  }
0x87: {  	_ =	shalt  }
.Lfunc_end0:
.L_simem_size_0:
called_computation.2_lowered:
.L_overlay_start_0:
0x88: {  	s2 =	sld [smem:$0x3FD9]  }
0x89: {  	s3 =	sld [smem:$0x3FFE];
	_ =	sdelay $0x1  }
0x8a: {  	s1 =	srdreg.scid  }
0x8b: {  	s0 =	sand.u32 $0x1, s1  }
0x8c: {  	s14 =	sshll.u32 s0, $0xA;
	s2 =	sadd.s32 s3, s2  }
0x8d: {  	s2 =	sadd.s32 s2, s14  }
0x8e: {  	[smem:$0x3FC0] =	sst s2  }
0x8f: {  	_ = 	snop  }
0x90: {  	s2 =	sld [smem:$0x3FD0];
	_ =	sdelay $0x2  }
0x91: {  	s15 =	simm.s32 $0xA;
	s4 =	simm.s32 $0x10  }
0x92: {  	[smem:s4], [sflag:s15] =	dma.local [hbm:s2], $0x1  }
0x93: {  	_ =	swait.eq [sflag:s15], $0x1  }
0x94: {  	[sflag:s15] =	ssyncset.done $0x0  }
0x95: {  	s16 =	sld [smem:$0x10];
	[sflag:s15] =	ssyncadd.s32 $0xFFFFFFFF  }
0x96: {  	s17 =	sld [smem:$0x11];
	(tm) =	ssettm $0x1  }
0x97: {  	s18 =	sld [smem:$0x3FFB];
	_ =	sdelay $0x3  }
0x98: {  	_ =	strace s18  }
0x99: {  	s4 =	sld [smem:$0x3FFC];
	_ =	sdelay $0x3  }
0x9a: {  	_ =	strace s4  }
0x9b: {  	s4 =	sld [smem:$0x3FFD];
	_ =	sdelay $0x3  }
0x9c: {  	_ =	strace s4  }
0x9d: {  	_ =	strace $0x8FFFFFFF  }
0x9e: {  	s19 =	sld [smem:$0x3FDB];
	_ =	sdelay $0x1  }
0x9f: {  	s5 =	simm.s32 $_scs_section_size  }
0xa0: {  	s6 =	simm.s32 $_size__tile_overlayer_lowered;
	s7 =	simm.s32 $_tile_overlayer_lowered  }
0xa1: {  	s22 =	simm.s32 $0x1BFF;
	s21 =	sshll.u32 s7, $0x1;
	s4 =	sadd.s32 s5, s19  }
0xa2: {  	s8 =	simm.s32 $0x0;
	s20 =	sshll.u32 s6, $0x1;
	s6 =	sadd.s32 s21, s4  }
0xa3: {  	[timem:s8], [sflag:s22] =	dma.local [hbm:s6], s20  }
0xa4: {  	_ =	swait.ge [sflag:s22], s20  }
0xa5: {  	s5 =	ssub.s32 $0x0, s20;
	[sflag:s22] =	ssyncset.done $0x0  }
0xa6: {  	[sflag:s22] =	ssyncadd.s32 s5;
	_ =	sdelay $0x1  }
0xa7: {  	s23 =	simm.s32 $0x1B8B  }
0xa8: {  	_ =	swait.ge [sflag:s23], $0x1  }
0xa9: {  	[sflag:s23] =	ssyncset.done $0x0  }
0xaa: {  	s25 =	simm.s32 $0x1B8E;
	s24 =	sld [smem:$0x3FFE];
	[sflag:s23] =	ssyncadd.s32 $0xFFFFFFFF  }
0xab: {  	s26 =	simm.s32 $execute0_lowered;
	[smem:$0x3FD2] =	sst s25  }
0xac: {  	s6 =	sshll.u32 s26, $0x1;
	_ =	strace $0x8000004C;
	[dreg:$0x1] =	wrdreg $0xFFFFFFFF  }
0xad: {  	s28 =	simm.s32 $_size_execute0_lowered;
	s4 =	sadd.s32 s4, s6;
	[dreg:$0x0] =	wrdreg $0x0  }
0xae: {  	s6 =	sshll.u32 s28, $0x1;
	[dreg:$0x2] =	wrdreg s4  }
0xaf: {  	[dreg:$0x3] =	wrdreg s6  }
0xb0: {  	[dreg:$0x4] =	wrdreg $0xC0  }
0xb1: {  	_ =	task [dreg:s8], $0x5FFFF  }
0xb2: {  	[dreg:$0x1] =	wrdreg $0xFFFFFFFF  }
0xb3: {  	[dreg:$0x0] =	wrdreg $0x60  }
0xb4: {  	[dreg:$0x2] =	wrdreg s24  }
0xb5: {  	[dreg:$0x3] =	wrdreg s17  }
0xb6: {  	[dreg:$0x4] =	wrdreg s16  }
0xb7: {  	[dreg:$0x5] =	wrdreg $0x0  }
0xb8: {  	[dreg:$0x6] =	wrdreg $0x9  }
0xb9: {  	_ =	task.clear_ibuf [dreg:s8], $0x7FFFF;
	_ =	strace $0x9000004C  }
0xba: {  	s29 =	simm.s32 $0x9;
	_ =	strace $0x8000004E  }
0xbb: {  	_ =	swait.ge [sflag:s29], $0x1  }
0xbc: {  	[sflag:s29] =	ssyncadd.s32 $0xFFFFFFFF  }
0xbd: {  	_ =	strace $0x9000004E  }
0xbe: {  	_ =	sfence  }
0xbf: {  	s30 =	sld [smem:$0x0];
	_ =	sdelay $0x2  }
0xc0: {  	s31 =	sshll.u32 s1, $0xD;
	s1 =	sshrl.u32 s1, $0x2  }
0xc1: {  	s3 =	sand.u32 $0x4000, s31;
	s1 =	sadd.s32 s1, s30  }
0xc2: {  	s0 =	sor.u32 s3, s0;
	s1 =	sshll.u32 s1, $0x11  }
0xc3: {  	s0 =	sor.u32 s1, s0  }
0xc4: {  	s0 =	sadd.s32 $0x8F2B, s0  }
0xc5: {  	[sflag:s0] =	ssyncadd.remote.s32 $0x1  }
0xc6: {  	_ =	sfence.sel $0xFFFF  }
0xc7: {  	[dreg:$0x0] =	wrdreg $0xFFFFFFFF;
	(pc) =	sbr.abs _section_cstart, $3  }
0xc8: {  	[dreg:$0x1] =	wrdreg $0xFFFFFFFF  }
0xc9: {  	_ =	task.clear_ibuf [dreg:s8], $0x2FFFF;
	_ =	strace $0x9FFFFFFF  }
0xca: {  	(tm) =	ssettm $0x7FFFFFFF  }
0xcb: {  	_ =	shalt  }
tec
execute0_lowered:
.L_overlay_start_1:
0x0: {  	(tag) =	ssettag $0x1  }
0x1: {  	s6 =	rddreg [dreg:$0x0]  }
0x2: {  	s10 =	rddreg [dreg:$0x1]  }
0x3: {  	s9 =	rddreg [dreg:$0x2]  }
0x4: {  	s2 =	rddreg [dreg:$0x3]  }
0x5: {  	s0 =	rddreg [dreg:$0x4];
	s4 =	srdreg.scid  }
0x6: {  	s1 =	stileid.u32;
	s3 =	simm.s32 $0x0;
	s15 =	simm.s32 $0x3  }
0x7: {  	s16 =	simm.s32 $0x1;
	s17 =	simm.s32 $0x140;
	s18 =	simm.s32 $0x14280  }
0x8: {  	s19 =	simm.s32 $0x2;
	s20 =	simm.s32 $0x0;
	s8 =	smul.u32 $0x14000, s1  }
0x9: {  	s7 =	sand.u32 $0x1, s4;
	[smem:$0x7FF] =	sst s3;
	s14 =	smul.u32 $0x2800, s1  }
0xa: {  	s4 =	sadd.s32 $0x52800, s6;
	s5 =	sadd.s32 $0x7A800, s6;
	s11 =	smul.u32 $0x140000, s7  }
0xb: {  	s29 =	sshll.u32 s1, $0x6;
	s12 =	ssub.s32 $0x2, s7;
	s7 =	smul.u32 $0x28000, s7  }
0xc: {  	_ =	strace $0x8000004D;
	s13 =	sshrl.u32 s12, $0x1;
	s30 =	sadd.s32 s8, s2  }
0xd: {  	s11 =	sadd.s32 s8, s11;
	s12 =	ssub.s32 s12, s13;
	s14 =	sadd.s32 s14, s7  }
0xe: {  	s13 =	simm.s32 $0x14000;
	s11 =	sshrl.u32 s11, $0x3;
	s8 =	smax.u32 s12, $0x1  }
0xf: {  	s31 =	sshrl.u32 s14, $0x3;
	s12 =	simm.s32 $0x4;
	s14 =	simm.s32 $0x14140  }
0x10: {  	s11 =	sadd.s32 s11, s6;
	s6 =	sor.u32 $0x1C04, s29;
	s9 =	sadd.s32 s31, s9  }
0x11: {  	s10 =	sadd.s32 s31, s10;
	s7 =	sadd.s32 $0xA5000, s11;
	s11 =	sshrl.u32 s30, $0x3  }
.LBB2_1:
0x12: {  	[spmem:s11], [sflag:s6] =	dma.local [hbm:s5], $0x2800  }
0x13: {  	_ =	swait.ge [sflag:s12], $0x2800  }
0x14: {  	[sflag:s12] =	ssyncset.done $0x0  }
0x15: {  	[sflag:s12] =	ssyncadd.s32 $0xFFFFD800  }
0x16: {  	s21 =	sadd.s32 $0x0, s10;
	[bflag:$0x0] =	sbarrier.arrive $0xFFFF  }
0x17: {  	[tilespmem:s13], [sflag:$0x3] =	stream.linear.gather [hbm4b:s21+s3], $0x140, $0x38;
	[tilespmem:$0x1E280] =	vst v63  }
0x18: {  	s31 =	sadd.s32 $0x0, s9  }
0x19: {  	[tilespmem:s14], [sflag:$0x1] =	stream.linear.gather [hbm4b:s31+s3], $0x140, $0x38;
	[tilespmem:$0x1E280] =	vst v63  }
0x1a: {  	_ =	swait.ge [sflag:s15], $0x140  }
0x1b: {  	[sflag:s15] =	ssyncset.done $0x0  }
0x1c: {  	[sflag:s15] =	ssyncadd.s32 $0xFFFFFEC0  }
0x1d: {  	_ =	swait.ge [sflag:s16], $0x140  }
0x1e: {  	[sflag:s16] =	ssyncset.done $0x0  }
0x1f: {  	[sflag:s16] =	ssyncadd.s32 $0xFFFFFEC0  }
0x20: {  	[tilespmem:s18], [sflag:$0x1] =	stream.indirect.gather [hbm4b:s4+s17], $0x80, s13, s17, $0xb8;
	[tilespmem:$0x1E280] =	vst v63  }
0x21: {  	_ =	swait.ge [sflag:s16], $0xA000  }
0x22: {  	[sflag:s16] =	ssyncset.done $0x0  }
0x23: {  	[sflag:s16] =	ssyncadd.s32 $0xFFFF6000  }
0x24: {  	[spmem:s2] =	stream.indirect.scatter.add.f32 [tilespmem:s18], [sflag:$0x2], $0x80, s14, s17, $0xb8;
	[tilespmem:$0x1E280] =	vst v63  }
0x25: {  	_ =	swait.ge [sflag:s19], $0xA000  }
0x26: {  	s22 =	simm.s32 $0x50;
	s21 =	simm.s32 $0x28;
	[sflag:s19] =	ssyncset.done $0x0  }
.LBB2_2:
0x27: {  	s23 =	sadd.s32 s21, s10  }
0x28: {  	[sflag:s19] =	ssyncadd.s32 $0xFFFF6000;
	s24 =	smov.u32 s22;
	s25 =	sadd.s32 $0x28, s22  }
0x29: {  	[tilespmem:s13], [sflag:$0x3] =	stream.linear.gather [hbm4b:s23+s3], $0x140, $0x38;
	[tilespmem:$0x1E280] =	vst v63  }
0x2a: {  	p0 =	sne.s32 s22, $0x4D8;
	s22 =	sadd.s32 s21, s9;
	s21 =	smov.u32 s24  }
0x2b: {  	[tilespmem:s14], [sflag:$0x1] =	stream.linear.gather [hbm4b:s22+s3], $0x140, $0x38;
	[tilespmem:$0x1E280] =	vst v63  }
0x2c: {  	_ =	swait.ge [sflag:s15], $0x140  }
0x2d: {  	[sflag:s15] =	ssyncset.done $0x0  }
0x2e: {  	[sflag:s15] =	ssyncadd.s32 $0xFFFFFEC0  }
0x2f: {  	_ =	swait.ge [sflag:s16], $0x140  }
0x30: {  	[sflag:s16] =	ssyncset.done $0x0  }
0x31: {  	[sflag:s16] =	ssyncadd.s32 $0xFFFFFEC0  }
0x32: {  	[tilespmem:s18], [sflag:$0x1] =	stream.indirect.gather [hbm4b:s4+s17], $0x80, s13, s17, $0xb8;
	[tilespmem:$0x1E280] =	vst v63  }
0x33: {  	_ =	swait.ge [sflag:s16], $0xA000  }
.Ltmp0:
0x34: {  	[sflag:s16] =	ssyncset.done $0x0;
	(pc) =	sbr.rel @p0 .LBB2_2-.Ltmp0, $4  }
0x35: {  	[sflag:s16] =	ssyncadd.s32 $0xFFFF6000  }
0x36: {  	[spmem:s2] =	stream.indirect.scatter.add.f32 [tilespmem:s18], [sflag:$0x2], $0x80, s14, s17, $0xb8;
	[tilespmem:$0x1E280] =	vst v63  }
0x37: {  	_ =	swait.ge [sflag:s19], $0xA000  }
0x38: {  	s22 =	smov.u32 s25;
	[sflag:s19] =	ssyncset.done $0x0  }
0x39: {  	s22 =	sadd.s32 s21, s10;
	[sflag:s19] =	ssyncadd.s32 $0xFFFF6000  }
0x3a: {  	[tilespmem:s13], [sflag:$0x3] =	stream.linear.gather [hbm4b:s22+s3], $0x140, $0x38;
	[tilespmem:$0x1E280] =	vst v63  }
0x3b: {  	s31 =	sadd.s32 s21, s9  }
0x3c: {  	[tilespmem:s14], [sflag:$0x1] =	stream.linear.gather [hbm4b:s31+s3], $0x140, $0x38;
	[tilespmem:$0x1E280] =	vst v63  }
0x3d: {  	_ =	swait.ge [sflag:s15], $0x140  }
0x3e: {  	[sflag:s15] =	ssyncset.done $0x0  }
0x3f: {  	[sflag:s15] =	ssyncadd.s32 $0xFFFFFEC0  }
0x40: {  	_ =	swait.ge [sflag:s16], $0x140  }
0x41: {  	[sflag:s16] =	ssyncset.done $0x0  }
0x42: {  	[sflag:s16] =	ssyncadd.s32 $0xFFFFFEC0  }
0x43: {  	[tilespmem:s18], [sflag:$0x1] =	stream.indirect.gather [hbm4b:s4+s17], $0x80, s13, s17, $0xb8;
	[tilespmem:$0x1E280] =	vst v63  }
0x44: {  	_ =	swait.ge [sflag:s16], $0xA000  }
0x45: {  	[sflag:s16] =	ssyncset.done $0x0  }
0x46: {  	[sflag:s16] =	ssyncadd.s32 $0xFFFF6000  }
0x47: {  	[spmem:s2] =	stream.indirect.scatter.add.f32 [tilespmem:s18], [sflag:$0x2], $0x80, s14, s17, $0xb8;
	[tilespmem:$0x1E280] =	vst v63  }
0x48: {  	_ =	swait.ge [sflag:s19], $0xA000  }
0x49: {  	s20 =	sadd.s32 $0x1, s20;
	[sflag:s19] =	ssyncset.done $0x0  }
0x4a: {  	p0 =	sne.s32 s20, s8;
	[sflag:s19] =	ssyncadd.s32 $0xFFFF6000  }
.Ltmp1:
0x4b: {  	[bflag:$0x0] =	sbarrier.arrive $0xFFFF;
	(pc) =	sbr.rel @p0 .LBB2_1-.Ltmp1, $4  }
0x4c: {  	[hbm:s7], [sflag:s6] =	dma.local [spmem:s11], $0x2800  }
0x4d: {  	_ =	swait.ge [sflag:s12], $0x2800  }
0x4e: {  	[sflag:s12] =	ssyncset.done $0x0  }
0x4f: {  	[sflag:s12] =	ssyncadd.s32 $0xFFFFD800  }
0x50: {  	_ =	sfence.sel $0x180000  }
0x51: {  	[bflag:$0x0] =	sbarrier.arrive $0xFFFF  }
0x52: {  	p0 =	sne.s32 s1, $0x0;
	_ =	strace $0x9000004D  }
0x53: {  	s0 =	sadd.s32 @!p0 $0x100000, s0;
	[bflag:$0x2] =	sbarrier.arrive $0xFFFF  }
0x54: {  	[sflag:s0] =	ssyncadd.tile.s32 @!p0 $0x1;
	_ =	shalt  }
.Lfunc_end2:
_tile_overlayer_lowered:
.L_overlay_start_2:
0x55: {  	(tag) =	ssettag $0x2  }
0x56: {  	s0 =	rddreg [dreg:$0x0];
	s2 =	stileid.u32  }
0x57: {  	s1 =	rddreg [dreg:$0x1];
	p0 =	sne.s32 s2, $0x0  }
0x58: {  	s3 =	rddreg [dreg:$0x2];
	[bflag:$0x3] =	sbarrier.arrive $0xFFFF;
	s2 =	simm.s32 @!p0 $0x1C04  }
0x59: {  	[timem:s3], [sflag:s2] =	dma.local @!p0 [hbm:s0], s1  }
0x5a: {  	s0 =	simm.s32 @!p0 $0x4  }
0x5b: {  	_ =	swait.ge @!p0 [sflag:s0], s1  }
0x5c: {  	s1 =	ssub.s32 @!p0 $0x0, s1;
	[sflag:s0] =	ssyncset.done @!p0 $0x0  }
0x5d: {  	[sflag:s0] =	ssyncadd.s32 @!p0 s1  }
0x5e: {  	[bflag:$0x3] =	sbarrier.arrive $0xFFFF  }
0x5f: {  	_ =	shalt  }

// kernel: kernel.8.cloned.1.call-start
scs
__scs_entry_jumppad:
0x0: {  	(pc) =	sbr.rel $0x88, $3  }
0x1: {  	(tag) =	ssettag $0x0;
	lr =	simm.s32 $0x1  }
0x2: {  	[smem:$0x3F99] =	sst lr;
	_ =	strace $0xD0000000  }
0x3: {  	_ = 	snop  }
0x4: {  	_ = 	snop  }
0x5: {  	_ = 	snop  }
0x6: {  	_ = 	snop  }
0x7: {  	_ = 	snop  }
__scs_overlays_trampoline_lowered:
0x8: {  	[smem:$0x3FA8] =	sst s0  }
0x9: {  	[smem:$0x3FA9] =	sst s1  }
0xa: {  	[smem:$0x3FAA] =	sst s2  }
0xb: {  	[smem:$0x3FAB] =	sst s3  }
0xc: {  	[smem:$0x3FAC] =	sst s4  }
0xd: {  	[smem:$0x3FAD] =	sst s5  }
0xe: {  	[smem:$0x3FAE] =	sst s6  }
0xf: {  	[smem:$0x3FAF] =	sst s7  }
0x10: {  	[smem:$0x3FB0] =	sst s8  }
0x11: {  	[smem:$0x3FB1] =	sst s9;
	s0 =	simm.s32 @!p0 $0x0  }
0x12: {  	s1 =	sld [smem:$0x3F97];
	s0 =	simm.s32 @p0 $0x1  }
0x13: {  	[smem:$0x3FB2] =	sst s0;
	s0 =	simm.s32 @!p1 $0x0  }
0x14: {  	s2 =	sld [smem:$0x3F96];
	s0 =	simm.s32 @p1 $0x1  }
0x15: {  	[smem:$0x3FB3] =	sst s0;
	s0 =	simm.s32 @!p2 $0x0  }
0x16: {  	s3 =	sld [smem:$0x3FDB];
	s0 =	simm.s32 @p2 $0x1  }
0x17: {  	s4 =	simm.s32 $0x1BF5;
	[smem:$0x3FB5] =	sst s0  }
0x18: {  	s0 =	sld [smem:$0x3F98];
	_ =	swait.ge [sflag:s4], $0x0  }
0x19: {  	s7 =	sld [smem:$0x3F99]  }
0x1a: {  	s8 =	sadd.s32 $0xFFFFE003, lr  }
0x1b: {  	s9 =	sadd.s32 $0xFFFFFEF7, lr;
	s5 =	simm.s32 $0xFFFFFFFF;
	p2 =	slt.u32 s8, $0xFFFFF086  }
0x1c: {  	p1 =	slt.u32 s9, $0xF7A;
	s5 =	simm.s32 @!p2 $0x0  }
0x1d: {  	s5 =	simm.s32 @p1 $0x1;
	p0 =	seq.s32 s7, s2  }
0x1e: {  	s7 =	smul.u32 @!p0 $0xF7A, s2;
	p2 =	seq.s32 @!p0 s5, $0x0  }
0x1f: {  	s9 =	smul.u32 $0xF7A, s1;
	s8 =	simm.s32 @!p0 $0x1BF5;
	p2 =	por !p2, p0  }
0x20: {  	[sflag:s8] =	ssyncset.s32 @!p0 $0xFFFFF086;
	s6 =	sadd.s32 @!p0 s3, s7;
	s7 =	simm.s32 @!p0 $0x108  }
0x21: {  	s3 =	sadd.s32 s3, s9;
	s6 =	sadd.s32 @!p0 $0x88, s6;
	s7 =	simm.s32 @p2 $0x1082  }
0x22: {  	[simem:s7], [sflag:s8] =	dma.local @!p0 [hbm:s6], $0xF7A  }
0x23: {  	s9 =	sor.u32 $0xD0000000, s2;
	s6 =	simm.s32 $0x108;
	_ =	swait.ge @!p0 [sflag:s8], $0x0  }
0x24: {  	s3 =	sadd.s32 $0x88, s3;
	s6 =	simm.s32 @!p1 $0x1082;
	[sflag:s4] =	ssyncset.s32 $0xFFFFF086  }
0x25: {  	[simem:s6], [sflag:s4] =	dma.local [hbm:s3], $0xF7A  }
0x26: {  	[smem:$0x3F99] =	sst s1;
	(tag) =	ssettag s2;
	_ =	strace s9  }
0x27: {  	s1 =	sld [smem:$0x3FA9]  }
0x28: {  	s2 =	sld [smem:$0x3FAA]  }
0x29: {  	s4 =	sld [smem:$0x3FAC]  }
0x2a: {  	p0 =	seq.s32 s5, $0x0;
	s5 =	sld [smem:$0x3FAD]  }
0x2b: {  	s6 =	sld [smem:$0x3FAE]  }
0x2c: {  	s7 =	sld [smem:$0x3FAF]  }
0x2d: {  	s3 =	simm.s32 $0x108;
	s8 =	sld [smem:$0x3FB0]  }
0x2e: {  	s3 =	simm.s32 @!p0 $0x1082;
	s9 =	sld [smem:$0x3FB1]  }
0x2f: {  	lr =	sadd.s32 s0, s3;
	s0 =	sld [smem:$0x3FA8]  }
0x30: {  	s3 =	sld [smem:$0x3FAB]  }
0x31: {  	[smem:$0x3FB4] =	sst s10  }
0x32: {  	s10 =	sld [smem:$0x3FB2];
	_ =	sdelay $0x3  }
0x33: {  	p0 =	seq.s32 s10, $0x1;
	s10 =	sld [smem:$0x3FB4];
	_ =	sdelay $0x3  }
0x34: {  	[smem:$0x3FB4] =	sst s10  }
0x35: {  	s10 =	sld [smem:$0x3FB3];
	_ =	sdelay $0x3  }
0x36: {  	p1 =	seq.s32 s10, $0x1;
	s10 =	sld [smem:$0x3FB4];
	_ =	sdelay $0x3  }
0x37: {  	[smem:$0x3FB4] =	sst s10  }
0x38: {  	s10 =	sld [smem:$0x3FB5]  }
0x39: {  	_ = 	snop;
	(pc) =	sbr.ind lr, $3  }
0x3a: {  	_ = 	snop  }
0x3b: {  	_ = 	snop  }
0x3c: {  	p2 =	seq.s32 s10, $0x1;
	s10 =	sld [smem:$0x3FB4]  }
0x3d: {  	_ =	shalt  }
0x3e: {  	_ =	shalt  }
0x3f: {  	_ =	shalt  }
0x40: {  	_ =	shalt  }
0x41: {  	_ =	shalt  }
0x42: {  	_ =	shalt  }
0x43: {  	_ =	shalt  }
0x44: {  	_ =	shalt  }
0x45: {  	_ =	shalt  }
0x46: {  	_ =	shalt  }
0x47: {  	_ =	shalt  }
0x48: {  	_ =	shalt  }
0x49: {  	_ =	shalt  }
0x4a: {  	_ =	shalt  }
0x4b: {  	_ =	shalt  }
0x4c: {  	_ =	shalt  }
0x4d: {  	_ =	shalt  }
0x4e: {  	_ =	shalt  }
0x4f: {  	_ =	shalt  }
0x50: {  	_ =	shalt  }
0x51: {  	_ =	shalt  }
0x52: {  	_ =	shalt  }
0x53: {  	_ =	shalt  }
0x54: {  	_ =	shalt  }
0x55: {  	_ =	shalt  }
0x56: {  	_ =	shalt  }
0x57: {  	_ =	shalt  }
0x58: {  	_ =	shalt  }
0x59: {  	_ =	shalt  }
0x5a: {  	_ =	shalt  }
0x5b: {  	_ =	shalt  }
0x5c: {  	_ =	shalt  }
0x5d: {  	_ =	shalt  }
0x5e: {  	_ =	shalt  }
0x5f: {  	_ =	shalt  }
0x60: {  	_ =	shalt  }
0x61: {  	_ =	shalt  }
0x62: {  	_ =	shalt  }
0x63: {  	_ =	shalt  }
0x64: {  	_ =	shalt  }
0x65: {  	_ =	shalt  }
0x66: {  	_ =	shalt  }
0x67: {  	_ =	shalt  }
0x68: {  	_ =	shalt  }
0x69: {  	_ =	shalt  }
0x6a: {  	_ =	shalt  }
0x6b: {  	_ =	shalt  }
0x6c: {  	_ =	shalt  }
0x6d: {  	_ =	shalt  }
0x6e: {  	_ =	shalt  }
0x6f: {  	_ =	shalt  }
0x70: {  	_ =	shalt  }
0x71: {  	_ =	shalt  }
0x72: {  	_ =	shalt  }
0x73: {  	_ =	shalt  }
0x74: {  	_ =	shalt  }
0x75: {  	_ =	shalt  }
0x76: {  	_ =	shalt  }
0x77: {  	_ =	shalt  }
0x78: {  	_ =	shalt  }
0x79: {  	_ =	shalt  }
0x7a: {  	_ =	shalt  }
0x7b: {  	_ =	shalt  }
0x7c: {  	_ =	shalt  }
0x7d: {  	_ =	shalt  }
0x7e: {  	_ =	shalt  }
0x7f: {  	_ =	shalt  }
0x80: {  	_ =	shalt  }
0x81: {  	_ =	shalt  }
0x82: {  	_ =	shalt  }
0x83: {  	_ =	shalt  }
0x84: {  	_ =	shalt  }
0x85: {  	_ =	shalt  }
0x86: {  	_ =	shalt  }
0x87: {  	_ =	shalt  }
.Lfunc_end0:
.L_simem_size_0:
called_computation_lowered:
.L_overlay_start_0:
0x88: {  	s2 =	sld [smem:$0x3FD9]  }
0x89: {  	s3 =	sld [smem:$0x3FFE];
	_ =	sdelay $0x1  }
0x8a: {  	s1 =	srdreg.scid  }
0x8b: {  	s0 =	sand.u32 $0x1, s1  }
0x8c: {  	s14 =	sshll.u32 s0, $0xA;
	s2 =	sadd.s32 s3, s2  }
0x8d: {  	s2 =	sadd.s32 s2, s14  }
0x8e: {  	[smem:$0x3FC0] =	sst s2  }
0x8f: {  	_ = 	snop  }
0x90: {  	s2 =	sld [smem:$0x3FD0];
	_ =	sdelay $0x2  }
0x91: {  	s15 =	simm.s32 $0xA;
	s4 =	simm.s32 $0x10  }
0x92: {  	[smem:s4], [sflag:s15] =	dma.local [hbm:s2], $0x1  }
0x93: {  	_ =	swait.eq [sflag:s15], $0x1  }
0x94: {  	[sflag:s15] =	ssyncset.done $0x0  }
0x95: {  	[sflag:s15] =	ssyncadd.s32 $0xFFFFFFFF  }
0x96: {  	s16 =	sld [smem:$0x10];
	(tm) =	ssettm $0x1  }
0x97: {  	s17 =	sld [smem:$0x3FFB];
	_ =	sdelay $0x3  }
0x98: {  	_ =	strace s17  }
0x99: {  	s3 =	sld [smem:$0x3FFC];
	_ =	sdelay $0x3  }
0x9a: {  	_ =	strace s3  }
0x9b: {  	s3 =	sld [smem:$0x3FFD];
	_ =	sdelay $0x3  }
0x9c: {  	_ =	strace s3  }
0x9d: {  	_ =	strace $0x8FFFFFFF  }
0x9e: {  	s18 =	sld [smem:$0x3FDB];
	_ =	sdelay $0x1  }
0x9f: {  	s19 =	simm.s32 $_scs_section_size  }
0xa0: {  	s5 =	simm.s32 $_size__tile_overlayer_lowered;
	s6 =	simm.s32 $_tile_overlayer_lowered  }
0xa1: {  	s22 =	simm.s32 $0x1BFF;
	s21 =	sshll.u32 s6, $0x1;
	s3 =	sadd.s32 s19, s18  }
0xa2: {  	s7 =	simm.s32 $0x0;
	s20 =	sshll.u32 s5, $0x1;
	s5 =	sadd.s32 s21, s3  }
0xa3: {  	[timem:s7], [sflag:s22] =	dma.local [hbm:s5], s20  }
0xa4: {  	_ =	swait.ge [sflag:s22], s20  }
0xa5: {  	s4 =	ssub.s32 $0x0, s20;
	[sflag:s22] =	ssyncset.done $0x0  }
0xa6: {  	[sflag:s22] =	ssyncadd.s32 s4;
	_ =	sdelay $0x1  }
0xa7: {  	s23 =	simm.s32 $0x1B8B  }
0xa8: {  	_ =	swait.ge [sflag:s23], $0x1  }
0xa9: {  	[sflag:s23] =	ssyncset.done $0x0  }
0xaa: {  	s25 =	simm.s32 $0x1B8E;
	s24 =	sld [smem:$0x3FFE];
	[sflag:s23] =	ssyncadd.s32 $0xFFFFFFFF  }
0xab: {  	s26 =	simm.s32 $execute0_lowered;
	[smem:$0x3FD2] =	sst s25  }
0xac: {  	s5 =	sshll.u32 s26, $0x1;
	_ =	strace $0x80000046;
	[dreg:$0x1] =	wrdreg $0xFFFFFFFF  }
0xad: {  	s28 =	simm.s32 $_size_execute0_lowered;
	s3 =	sadd.s32 s3, s5;
	[dreg:$0x0] =	wrdreg $0x0  }
0xae: {  	s5 =	sshll.u32 s28, $0x1;
	[dreg:$0x2] =	wrdreg s3  }
0xaf: {  	[dreg:$0x3] =	wrdreg s5  }
0xb0: {  	[dreg:$0x4] =	wrdreg $0xC0  }
0xb1: {  	_ =	task [dreg:s7], $0x5FFFF  }
0xb2: {  	[dreg:$0x1] =	wrdreg $0xFFFFFFFF  }
0xb3: {  	[dreg:$0x0] =	wrdreg $0x60  }
0xb4: {  	[dreg:$0x2] =	wrdreg s16  }
0xb5: {  	[dreg:$0x3] =	wrdreg s24  }
0xb6: {  	[dreg:$0x4] =	wrdreg $0x0  }
0xb7: {  	[dreg:$0x5] =	wrdreg $0x9  }
0xb8: {  	_ =	task.clear_ibuf [dreg:s7], $0x6FFFF;
	_ =	strace $0x90000046  }
0xb9: {  	s29 =	simm.s32 $0x9;
	_ =	strace $0x80000048  }
0xba: {  	_ =	swait.ge [sflag:s29], $0x1  }
0xbb: {  	[sflag:s29] =	ssyncadd.s32 $0xFFFFFFFF  }
0xbc: {  	_ =	strace $0x90000048  }
0xbd: {  	_ =	sfence  }
0xbe: {  	s30 =	sld [smem:$0x0];
	_ =	sdelay $0x2  }
0xbf: {  	s31 =	sshll.u32 s1, $0xD;
	s1 =	sshrl.u32 s1, $0x2  }
0xc0: {  	s3 =	sand.u32 $0x4000, s31;
	s1 =	sadd.s32 s1, s30  }
0xc1: {  	s0 =	sor.u32 s3, s0;
	s1 =	sshll.u32 s1, $0x11  }
0xc2: {  	s0 =	sor.u32 s1, s0  }
0xc3: {  	s0 =	sadd.s32 $0x8F2B, s0  }
0xc4: {  	[sflag:s0] =	ssyncadd.remote.s32 $0x1  }
0xc5: {  	_ =	sfence.sel $0xFFFF  }
0xc6: {  	[dreg:$0x0] =	wrdreg $0xFFFFFFFF;
	(pc) =	sbr.abs _section_cstart, $3  }
0xc7: {  	[dreg:$0x1] =	wrdreg $0xFFFFFFFF  }
0xc8: {  	_ =	task.clear_ibuf [dreg:s7], $0x2FFFF;
	_ =	strace $0x9FFFFFFF  }
0xc9: {  	(tm) =	ssettm $0x7FFFFFFF  }
tec
execute0_lowered:
.L_overlay_start_1:
0x0: {  	(tag) =	ssettag $0x1  }
0x1: {  	s0 =	rddreg [dreg:$0x0]  }
0x2: {  	s1 =	rddreg [dreg:$0x1]  }
0x3: {  	s2 =	rddreg [dreg:$0x2]  }
0x4: {  	s12 =	rddreg [dreg:$0x3];
	s30 =	simm.s32 $0x0  }
0x5: {  	s3 =	srdreg.scid;
	[smem:$0x7FF] =	sst s30;
	s25 =	sadd.s32 $0x2800, s1  }
0x6: {  	s26 =	sadd.s32 $0x2E00, s1;
	_ =	strace $0x80000047;
	[dreg:$0x4] =	wrdreg s25  }
0x7: {  	s8 =	stileid.u32;
	s11 =	simm.s32 $0x2940;
	[dreg:$0x5] =	wrdreg s26  }
0x8: {  	s13 =	simm.s32 $0x2A80;
	s14 =	simm.s32 $0x2BC0;
	[dreg:$0x8] =	wrdreg s11  }
0x9: {  	s15 =	simm.s32 $0x2D00;
	s17 =	simm.s32 $0x2E40;
	[dreg:$0x9] =	wrdreg s13  }
0xa: {  	s18 =	simm.s32 $0x2F80;
	s19 =	simm.s32 $0x30C0;
	[dreg:$0xa] =	wrdreg s14  }
0xb: {  	s20 =	simm.s32 $0x3200;
	s21 =	simm.s32 $0x3340;
	[dreg:$0xb] =	wrdreg s15  }
0xc: {  	s22 =	simm.s32 $0x3480;
	s31 =	simm.s32 $0x2800;
	[dreg:$0xc] =	wrdreg s17  }
0xd: {  	s23 =	simm.s32 $0x35C0;
	s24 =	simm.s32 $0x3700;
	[dreg:$0xd] =	wrdreg s18  }
0xe: {  	s28 =	simm.s32 $0x3E80;
	s29 =	simm.s32 $0x3FC0;
	[dreg:$0xe] =	wrdreg s19  }
0xf: {  	p0 =	por $0x0, $0x0;
	s3 =	sand.u32 $0x1, s3;
	[dreg:$0xf] =	wrdreg s20  }
0x10: {  	s4 =	smul.u32 $0x2800, s8;
	s7 =	sshll.u32 s8, $0x5;
	[dreg:$0x10] =	wrdreg s21  }
0x11: {  	s16 =	sshll.u32 s8, $0x6;
	s8 =	simm.s32 $0x140;
	[dreg:$0x11] =	wrdreg s22  }
0x12: {  	s5 =	smul.u32 $0x28000, s3;
	s6 =	sshll.u32 s3, $0x9;
	[dreg:$0x12] =	wrdreg s23  }
0x13: {  	s10 =	ssub.s32 $0x2, s3;
	[dreg:$0x13] =	wrdreg s24;
	s25 =	simm.s32 $0x3840  }
0x14: {  	s26 =	simm.s32 $0x3980;
	s11 =	simm.s32 $0x3;
	s17 =	simm.s32 $0x3AC0  }
0x15: {  	s21 =	simm.s32 $0x4100;
	s22 =	simm.s32 $0x4240;
	s23 =	simm.s32 $0x4380  }
0x16: {  	s24 =	simm.s32 $0x44C0;
	s18 =	simm.s32 $0x4740;
	s19 =	simm.s32 $0x4880  }
0x17: {  	s20 =	simm.s32 $0x49C0;
	s13 =	simm.s32 $0x4B00;
	s5 =	sadd.s32 s4, s5  }
0x18: {  	s14 =	simm.s32 $0x4C40;
	s15 =	simm.s32 $0x4D80;
	s5 =	sshrl.u32 s5, $0x3  }
0x19: {  	s6 =	sor.u32 s7, s6;
	s3 =	sshrl.u32 s10, $0x1;
	s1 =	sadd.s32 s5, s1  }
0x1a: {  	[dreg:$0x14] =	wrdreg s25;
	s9 =	sadd.s32 $0x3200, s1;
	s1 =	ssub.s32 s10, s3  }
0x1b: {  	s7 =	simm.s32 $0x4;
	[dreg:$0x15] =	wrdreg s26;
	s1 =	smax.u32 s1, $0x1  }
0x1c: {  	s25 =	simm.s32 $0x3C00;
	s6 =	smul.u32 $0x28, s6;
	p1 =	sne.s32 s1, $0x1  }
.Ltmp0:
0x1d: {  	s26 =	simm.s32 $0x3D40;
	s4 =	sadd.s32 s4, s2;
	(pc) =	sbr.rel @!p1 .LBB2_1-.Ltmp0, $4  }
0x1e: {  	s4 =	sshrl.u32 s4, $0x3;
	s0 =	sadd.s32 s0, s6;
	s5 =	simm.s32 $0x5  }
0x1f: {  	s6 =	simm.s32 $0x5000;
	[dreg:$0x6] =	wrdreg s0;
	s3 =	sor.u32 $0x1C05, s16  }
0x20: {  	s10 =	simm.s32 $0x2;
	s16 =	simm.s32 $0x4EC0;
	[dreg:$0x7] =	wrdreg s9  }
0x21: {  	s9 =	simm.s32 $0x1;
	s0 =	sadd.s32 $0xFFFFFFFF, s1;
	s1 =	rddreg [dreg:$0x4]  }
0x22: {  	[spmem:s4], [sflag:s3] =	dma.local [hbm:s1], $0x500  }
0x23: {  	_ =	swait.ge [sflag:s5], $0x500  }
0x24: {  	[sflag:s5] =	ssyncset.done $0x0  }
0x25: {  	s12 =	rddreg [dreg:$0x5];
	[sflag:s5] =	ssyncadd.s32 $0xFFFFFB00  }
0x26: {  	[tilespmem:s6], [sflag:$0x5] =	stream.linear.gather [hbm4b:s12+s30], $0x1400, $0x38;
	[tilespmem:$0x6400] =	vst v63  }
0x27: {  	_ =	swait.ge [sflag:s5], $0x1400  }
0x28: {  	[sflag:s5] =	ssyncset.done $0x0  }
0x29: {  	s12 =	rddreg [dreg:$0x6];
	[sflag:s5] =	ssyncadd.s32 $0xFFFFEC00  }
0x2a: {  	[tilespmem:s31], [sflag:$0x5] =	stream.linear.gather [hbm4b:s12+s30], $0x2800, $0x38;
	[tilespmem:$0x6400] =	vst v63  }
0x2b: {  	_ =	swait.ge [sflag:s5], $0x2800  }
0x2c: {  	[sflag:s5] =	ssyncset.done $0x0  }
0x2d: {  	[sflag:s5] =	ssyncadd.s32 $0xFFFFD800  }
0x2e: {  	[bflag:$0x0] =	sbarrier.arrive $0xFFFF  }
0x2f: {  	[spmem:s2] =	stream.indirect.scatter.add.f32 [tilespmem:s6], [sflag:$0x1], $0x10, s31, s8, $0xb8;
	[tilespmem:$0x6400] =	vst v63  }
0x30: {  	s1 =	rddreg [dreg:$0x8]  }
0x31: {  	[spmem:s2] =	stream.indirect.scatter.add.f32 [tilespmem:s6], [sflag:$0x2], $0x10, s1, s8, $0xb8;
	[tilespmem:$0x6400] =	vst v63  }
0x32: {  	s12 =	smov.u32 s0;
	s0 =	rddreg [dreg:$0x9]  }
0x33: {  	[spmem:s2] =	stream.indirect.scatter.add.f32 [tilespmem:s6], [sflag:$0x3], $0x10, s0, s8, $0xb8;
	[tilespmem:$0x6400] =	vst v63  }
0x34: {  	s1 =	rddreg [dreg:$0xa]  }
0x35: {  	[spmem:s2] =	stream.indirect.scatter.add.f32 [tilespmem:s6], [sflag:$0x4], $0x10, s1, s8, $0xb8;
	[tilespmem:$0x6400] =	vst v63  }
0x36: {  	_ =	swait.ge [sflag:s9], $0x1400  }
0x37: {  	[sflag:s9] =	ssyncset.done $0x0  }
0x38: {  	[sflag:s9] =	ssyncadd.s32 $0xFFFFEC00  }
0x39: {  	_ =	swait.ge [sflag:s10], $0x1400  }
0x3a: {  	[sflag:s10] =	ssyncset.done $0x0  }
0x3b: {  	[sflag:s10] =	ssyncadd.s32 $0xFFFFEC00  }
0x3c: {  	_ =	swait.ge [sflag:s11], $0x1400  }
0x3d: {  	[sflag:s11] =	ssyncset.done $0x0  }
0x3e: {  	[sflag:s11] =	ssyncadd.s32 $0xFFFFEC00  }
0x3f: {  	_ =	swait.ge [sflag:s7], $0x1400  }
0x40: {  	[sflag:s7] =	ssyncset.done $0x0  }
0x41: {  	s0 =	rddreg [dreg:$0xb];
	[sflag:s7] =	ssyncadd.s32 $0xFFFFEC00  }
0x42: {  	[spmem:s2] =	stream.indirect.scatter.add.f32 [tilespmem:s6], [sflag:$0x1], $0x10, s0, s8, $0xb8;
	[tilespmem:$0x6400] =	vst v63  }
0x43: {  	s1 =	rddreg [dreg:$0xc]  }
0x44: {  	[spmem:s2] =	stream.indirect.scatter.add.f32 [tilespmem:s6], [sflag:$0x2], $0x10, s1, s8, $0xb8;
	[tilespmem:$0x6400] =	vst v63  }
0x45: {  	s0 =	rddreg [dreg:$0xd]  }
0x46: {  	[spmem:s2] =	stream.indirect.scatter.add.f32 [tilespmem:s6], [sflag:$0x3], $0x10, s0, s8, $0xb8;
	[tilespmem:$0x6400] =	vst v63  }
0x47: {  	s1 =	rddreg [dreg:$0xe]  }
0x48: {  	[spmem:s2] =	stream.indirect.scatter.add.f32 [tilespmem:s6], [sflag:$0x4], $0x10, s1, s8, $0xb8;
	[tilespmem:$0x6400] =	vst v63  }
0x49: {  	_ =	swait.ge [sflag:s9], $0x1400  }
0x4a: {  	[sflag:s9] =	ssyncset.done $0x0  }
0x4b: {  	[sflag:s9] =	ssyncadd.s32 $0xFFFFEC00  }
0x4c: {  	_ =	swait.ge [sflag:s10], $0x1400  }
0x4d: {  	[sflag:s10] =	ssyncset.done $0x0  }
0x4e: {  	[sflag:s10] =	ssyncadd.s32 $0xFFFFEC00  }
0x4f: {  	_ =	swait.ge [sflag:s11], $0x1400  }
0x50: {  	[sflag:s11] =	ssyncset.done $0x0  }
0x51: {  	[sflag:s11] =	ssyncadd.s32 $0xFFFFEC00  }
0x52: {  	_ =	swait.ge [sflag:s7], $0x1400  }
0x53: {  	[sflag:s7] =	ssyncset.done $0x0  }
0x54: {  	s0 =	rddreg [dreg:$0xf];
	[sflag:s7] =	ssyncadd.s32 $0xFFFFEC00  }
0x55: {  	[spmem:s2] =	stream.indirect.scatter.add.f32 [tilespmem:s6], [sflag:$0x1], $0x10, s0, s8, $0xb8;
	[tilespmem:$0x6400] =	vst v63  }
0x56: {  	s1 =	rddreg [dreg:$0x10]  }
0x57: {  	[spmem:s2] =	stream.indirect.scatter.add.f32 [tilespmem:s6], [sflag:$0x2], $0x10, s1, s8, $0xb8;
	[tilespmem:$0x6400] =	vst v63  }
0x58: {  	s0 =	rddreg [dreg:$0x11]  }
0x59: {  	[spmem:s2] =	stream.indirect.scatter.add.f32 [tilespmem:s6], [sflag:$0x3], $0x10, s0, s8, $0xb8;
	[tilespmem:$0x6400] =	vst v63  }
0x5a: {  	s1 =	rddreg [dreg:$0x12]  }
0x5b: {  	[spmem:s2] =	stream.indirect.scatter.add.f32 [tilespmem:s6], [sflag:$0x4], $0x10, s1, s8, $0xb8;
	[tilespmem:$0x6400] =	vst v63  }
0x5c: {  	_ =	swait.ge [sflag:s9], $0x1400  }
0x5d: {  	[sflag:s9] =	ssyncset.done $0x0  }
0x5e: {  	[sflag:s9] =	ssyncadd.s32 $0xFFFFEC00  }
0x5f: {  	_ =	swait.ge [sflag:s10], $0x1400  }
0x60: {  	[sflag:s10] =	ssyncset.done $0x0  }
0x61: {  	[sflag:s10] =	ssyncadd.s32 $0xFFFFEC00  }
0x62: {  	_ =	swait.ge [sflag:s11], $0x1400  }
0x63: {  	[sflag:s11] =	ssyncset.done $0x0  }
0x64: {  	[sflag:s11] =	ssyncadd.s32 $0xFFFFEC00  }
0x65: {  	_ =	swait.ge [sflag:s7], $0x1400  }
0x66: {  	[sflag:s7] =	ssyncset.done $0x0  }
0x67: {  	s0 =	rddreg [dreg:$0x13];
	[sflag:s7] =	ssyncadd.s32 $0xFFFFEC00  }
0x68: {  	[spmem:s2] =	stream.indirect.scatter.add.f32 [tilespmem:s6], [sflag:$0x1], $0x10, s0, s8, $0xb8;
	[tilespmem:$0x6400] =	vst v63  }
0x69: {  	s1 =	rddreg [dreg:$0x14]  }
0x6a: {  	[spmem:s2] =	stream.indirect.scatter.add.f32 [tilespmem:s6], [sflag:$0x2], $0x10, s1, s8, $0xb8;
	[tilespmem:$0x6400] =	vst v63  }
0x6b: {  	s0 =	rddreg [dreg:$0x15]  }
0x6c: {  	[spmem:s2] =	stream.indirect.scatter.add.f32 [tilespmem:s6], [sflag:$0x3], $0x10, s0, s8, $0xb8;
	[tilespmem:$0x6400] =	vst v63  }
0x6d: {  	_ = 	snop  }
0x6e: {  	[spmem:s2] =	stream.indirect.scatter.add.f32 [tilespmem:s6], [sflag:$0x4], $0x10, s17, s8, $0xb8;
	[tilespmem:$0x6400] =	vst v63  }
0x6f: {  	_ =	swait.ge [sflag:s9], $0x1400  }
0x70: {  	[sflag:s9] =	ssyncset.done $0x0  }
0x71: {  	[sflag:s9] =	ssyncadd.s32 $0xFFFFEC00  }
0x72: {  	_ =	swait.ge [sflag:s10], $0x1400  }
0x73: {  	[sflag:s10] =	ssyncset.done $0x0  }
0x74: {  	[sflag:s10] =	ssyncadd.s32 $0xFFFFEC00  }
0x75: {  	_ =	swait.ge [sflag:s11], $0x1400  }
0x76: {  	[sflag:s11] =	ssyncset.done $0x0  }
0x77: {  	[sflag:s11] =	ssyncadd.s32 $0xFFFFEC00  }
0x78: {  	_ =	swait.ge [sflag:s7], $0x1400  }
0x79: {  	[sflag:s7] =	ssyncset.done $0x0  }
0x7a: {  	[sflag:s7] =	ssyncadd.s32 $0xFFFFEC00  }
0x7b: {  	[spmem:s2] =	stream.indirect.scatter.add.f32 [tilespmem:s6], [sflag:$0x1], $0x10, s25, s8, $0xb8;
	[tilespmem:$0x6400] =	vst v63  }
0x7c: {  	_ = 	snop  }
0x7d: {  	[spmem:s2] =	stream.indirect.scatter.add.f32 [tilespmem:s6], [sflag:$0x2], $0x10, s26, s8, $0xb8;
	[tilespmem:$0x6400] =	vst v63  }
0x7e: {  	_ = 	snop  }
0x7f: {  	[spmem:s2] =	stream.indirect.scatter.add.f32 [tilespmem:s6], [sflag:$0x3], $0x10, s28, s8, $0xb8;
	[tilespmem:$0x6400] =	vst v63  }
0x80: {  	_ = 	snop  }
0x81: {  	[spmem:s2] =	stream.indirect.scatter.add.f32 [tilespmem:s6], [sflag:$0x4], $0x10, s29, s8, $0xb8;
	[tilespmem:$0x6400] =	vst v63  }
0x82: {  	_ =	swait.ge [sflag:s9], $0x1400  }
0x83: {  	[sflag:s9] =	ssyncset.done $0x0  }
0x84: {  	[sflag:s9] =	ssyncadd.s32 $0xFFFFEC00  }
0x85: {  	_ =	swait.ge [sflag:s10], $0x1400  }
0x86: {  	[sflag:s10] =	ssyncset.done $0x0  }
0x87: {  	[sflag:s10] =	ssyncadd.s32 $0xFFFFEC00  }
0x88: {  	_ =	swait.ge [sflag:s11], $0x1400  }
0x89: {  	[sflag:s11] =	ssyncset.done $0x0  }
0x8a: {  	[sflag:s11] =	ssyncadd.s32 $0xFFFFEC00  }
0x8b: {  	_ =	swait.ge [sflag:s7], $0x1400  }
0x8c: {  	[sflag:s7] =	ssyncset.done $0x0  }
0x8d: {  	[sflag:s7] =	ssyncadd.s32 $0xFFFFEC00  }
0x8e: {  	[spmem:s2] =	stream.indirect.scatter.add.f32 [tilespmem:s6], [sflag:$0x1], $0x10, s21, s8, $0xb8;
	[tilespmem:$0x6400] =	vst v63  }
0x8f: {  	_ = 	snop  }
0x90: {  	[spmem:s2] =	stream.indirect.scatter.add.f32 [tilespmem:s6], [sflag:$0x2], $0x10, s22, s8, $0xb8;
	[tilespmem:$0x6400] =	vst v63  }
0x91: {  	_ = 	snop  }
0x92: {  	[spmem:s2] =	stream.indirect.scatter.add.f32 [tilespmem:s6], [sflag:$0x3], $0x10, s23, s8, $0xb8;
	[tilespmem:$0x6400] =	vst v63  }
0x93: {  	_ = 	snop  }
0x94: {  	[spmem:s2] =	stream.indirect.scatter.add.f32 [tilespmem:s6], [sflag:$0x4], $0x10, s24, s8, $0xb8;
	[tilespmem:$0x6400] =	vst v63  }
0x95: {  	_ =	swait.ge [sflag:s9], $0x1400  }
0x96: {  	[sflag:s9] =	ssyncset.done $0x0  }
0x97: {  	[sflag:s9] =	ssyncadd.s32 $0xFFFFEC00  }
0x98: {  	_ =	swait.ge [sflag:s10], $0x1400  }
0x99: {  	[sflag:s10] =	ssyncset.done $0x0  }
0x9a: {  	[sflag:s10] =	ssyncadd.s32 $0xFFFFEC00  }
0x9b: {  	_ =	swait.ge [sflag:s11], $0x1400  }
0x9c: {  	[sflag:s11] =	ssyncset.done $0x0  }
0x9d: {  	[sflag:s11] =	ssyncadd.s32 $0xFFFFEC00  }
0x9e: {  	_ =	swait.ge [sflag:s7], $0x1400  }
0x9f: {  	[sflag:s7] =	ssyncset.done $0x0  }
0xa0: {  	s1 =	simm.s32 $0x4600;
	[sflag:s7] =	ssyncadd.s32 $0xFFFFEC00  }
0xa1: {  	[spmem:s2] =	stream.indirect.scatter.add.f32 [tilespmem:s6], [sflag:$0x1], $0x10, s1, s8, $0xb8;
	[tilespmem:$0x6400] =	vst v63  }
0xa2: {  	_ = 	snop  }
0xa3: {  	[spmem:s2] =	stream.indirect.scatter.add.f32 [tilespmem:s6], [sflag:$0x2], $0x10, s18, s8, $0xb8;
	[tilespmem:$0x6400] =	vst v63  }
0xa4: {  	_ = 	snop  }
0xa5: {  	[spmem:s2] =	stream.indirect.scatter.add.f32 [tilespmem:s6], [sflag:$0x3], $0x10, s19, s8, $0xb8;
	[tilespmem:$0x6400] =	vst v63  }
0xa6: {  	_ = 	snop  }
0xa7: {  	[spmem:s2] =	stream.indirect.scatter.add.f32 [tilespmem:s6], [sflag:$0x4], $0x10, s20, s8, $0xb8;
	[tilespmem:$0x6400] =	vst v63  }
0xa8: {  	_ =	swait.ge [sflag:s9], $0x1400  }
0xa9: {  	[sflag:s9] =	ssyncset.done $0x0  }
0xaa: {  	[sflag:s9] =	ssyncadd.s32 $0xFFFFEC00  }
0xab: {  	_ =	swait.ge [sflag:s10], $0x1400  }
0xac: {  	[sflag:s10] =	ssyncset.done $0x0  }
0xad: {  	[sflag:s10] =	ssyncadd.s32 $0xFFFFEC00  }
0xae: {  	_ =	swait.ge [sflag:s11], $0x1400  }
0xaf: {  	[sflag:s11] =	ssyncset.done $0x0  }
0xb0: {  	[sflag:s11] =	ssyncadd.s32 $0xFFFFEC00  }
0xb1: {  	_ =	swait.ge [sflag:s7], $0x1400  }
0xb2: {  	[sflag:s7] =	ssyncset.done $0x0  }
0xb3: {  	[sflag:s7] =	ssyncadd.s32 $0xFFFFEC00  }
0xb4: {  	[spmem:s2] =	stream.indirect.scatter.add.f32 [tilespmem:s6], [sflag:$0x1], $0x10, s13, s8, $0xb8;
	[tilespmem:$0x6400] =	vst v63  }
0xb5: {  	_ = 	snop  }
0xb6: {  	[spmem:s2] =	stream.indirect.scatter.add.f32 [tilespmem:s6], [sflag:$0x2], $0x10, s14, s8, $0xb8;
	[tilespmem:$0x6400] =	vst v63  }
0xb7: {  	_ = 	snop  }
0xb8: {  	[spmem:s2] =	stream.indirect.scatter.add.f32 [tilespmem:s6], [sflag:$0x3], $0x10, s15, s8, $0xb8;
	[tilespmem:$0x6400] =	vst v63  }
0xb9: {  	_ = 	snop  }
0xba: {  	[spmem:s2] =	stream.indirect.scatter.add.f32 [tilespmem:s6], [sflag:$0x4], $0x10, s16, s8, $0xb8;
	[tilespmem:$0x6400] =	vst v63  }
0xbb: {  	_ =	swait.ge [sflag:s9], $0x1400  }
0xbc: {  	[sflag:s9] =	ssyncset.done $0x0  }
0xbd: {  	[sflag:s9] =	ssyncadd.s32 $0xFFFFEC00  }
0xbe: {  	_ =	swait.ge [sflag:s10], $0x1400  }
0xbf: {  	[sflag:s10] =	ssyncset.done $0x0  }
0xc0: {  	[sflag:s10] =	ssyncadd.s32 $0xFFFFEC00  }
0xc1: {  	_ =	swait.ge [sflag:s11], $0x1400  }
0xc2: {  	[sflag:s11] =	ssyncset.done $0x0  }
0xc3: {  	[sflag:s11] =	ssyncadd.s32 $0xFFFFEC00  }
0xc4: {  	_ =	swait.ge [sflag:s7], $0x1400  }
0xc5: {  	[sflag:s7] =	ssyncset.done $0x0  }
0xc6: {  	p1 =	sne.s32 s12, $0x1;
	[sflag:s7] =	ssyncadd.s32 $0xFFFFEC00  }
.Ltmp1:
0xc7: {  	[bflag:$0x0] =	sbarrier.arrive $0xFFFF;
	(pc) =	sbr.rel @!p1 .LBB2_3-.Ltmp1, $4  }
0xc8: {  	s1 =	rddreg [dreg:$0x7]  }
0xc9: {  	[hbm:s1], [sflag:s3] =	dma.local [spmem:s4], $0x500  }
0xca: {  	p0 =	por $0x1, $0x1;
	_ =	swait.ge [sflag:s5], $0x500  }
0xcb: {  	s0 =	sadd.s32 $0xFFFFFFFF, s12;
	s1 =	rddreg [dreg:$0x4];
	[sflag:s5] =	ssyncset.done $0x0  }
.LBB2_4:
0xcc: {  	[sflag:s5] =	ssyncadd.s32 $0xFFFFFB00  }
0xcd: {  	[spmem:s4], [sflag:s3] =	dma.local [hbm:s1], $0x500  }
0xce: {  	_ =	swait.ge [sflag:s5], $0x500  }
0xcf: {  	[sflag:s5] =	ssyncset.done $0x0  }
0xd0: {  	s12 =	rddreg [dreg:$0x5];
	[sflag:s5] =	ssyncadd.s32 $0xFFFFFB00  }
0xd1: {  	[tilespmem:s6], [sflag:$0x5] =	stream.linear.gather [hbm4b:s12+s30], $0x1400, $0x38;
	[tilespmem:$0x6400] =	vst v63  }
0xd2: {  	_ =	swait.ge [sflag:s5], $0x1400  }
0xd3: {  	[sflag:s5] =	ssyncset.done $0x0  }
0xd4: {  	s12 =	rddreg [dreg:$0x6];
	[sflag:s5] =	ssyncadd.s32 $0xFFFFEC00  }
0xd5: {  	[tilespmem:s31], [sflag:$0x5] =	stream.linear.gather [hbm4b:s12+s30], $0x2800, $0x38;
	[tilespmem:$0x6400] =	vst v63  }
0xd6: {  	_ =	swait.ge [sflag:s5], $0x2800  }
0xd7: {  	[sflag:s5] =	ssyncset.done $0x0  }
0xd8: {  	[sflag:s5] =	ssyncadd.s32 $0xFFFFD800  }
0xd9: {  	[bflag:$0x0] =	sbarrier.arrive $0xFFFF  }
0xda: {  	[spmem:s2] =	stream.indirect.scatter.add.f32 [tilespmem:s6], [sflag:$0x1], $0x10, s31, s8, $0xb8;
	[tilespmem:$0x6400] =	vst v63  }
0xdb: {  	s1 =	rddreg [dreg:$0x8]  }
0xdc: {  	[spmem:s2] =	stream.indirect.scatter.add.f32 [tilespmem:s6], [sflag:$0x2], $0x10, s1, s8, $0xb8;
	[tilespmem:$0x6400] =	vst v63  }
0xdd: {  	s12 =	rddreg [dreg:$0x9]  }
0xde: {  	[spmem:s2] =	stream.indirect.scatter.add.f32 [tilespmem:s6], [sflag:$0x3], $0x10, s12, s8, $0xb8;
	[tilespmem:$0x6400] =	vst v63  }
0xdf: {  	s1 =	rddreg [dreg:$0xa]  }
0xe0: {  	[spmem:s2] =	stream.indirect.scatter.add.f32 [tilespmem:s6], [sflag:$0x4], $0x10, s1, s8, $0xb8;
	[tilespmem:$0x6400] =	vst v63  }
0xe1: {  	_ =	swait.ge [sflag:s9], $0x1400  }
0xe2: {  	[sflag:s9] =	ssyncset.done $0x0  }
0xe3: {  	[sflag:s9] =	ssyncadd.s32 $0xFFFFEC00  }
0xe4: {  	_ =	swait.ge [sflag:s10], $0x1400  }
0xe5: {  	[sflag:s10] =	ssyncset.done $0x0  }
0xe6: {  	[sflag:s10] =	ssyncadd.s32 $0xFFFFEC00  }
0xe7: {  	_ =	swait.ge [sflag:s11], $0x1400  }
0xe8: {  	[sflag:s11] =	ssyncset.done $0x0  }
0xe9: {  	[sflag:s11] =	ssyncadd.s32 $0xFFFFEC00  }
0xea: {  	_ =	swait.ge [sflag:s7], $0x1400  }
0xeb: {  	[sflag:s7] =	ssyncset.done $0x0  }
0xec: {  	s1 =	rddreg [dreg:$0xb];
	[sflag:s7] =	ssyncadd.s32 $0xFFFFEC00  }
0xed: {  	[spmem:s2] =	stream.indirect.scatter.add.f32 [tilespmem:s6], [sflag:$0x1], $0x10, s1, s8, $0xb8;
	[tilespmem:$0x6400] =	vst v63  }
0xee: {  	s12 =	rddreg [dreg:$0xc]  }
0xef: {  	[spmem:s2] =	stream.indirect.scatter.add.f32 [tilespmem:s6], [sflag:$0x2], $0x10, s12, s8, $0xb8;
	[tilespmem:$0x6400] =	vst v63  }
0xf0: {  	s1 =	rddreg [dreg:$0xd]  }
0xf1: {  	[spmem:s2] =	stream.indirect.scatter.add.f32 [tilespmem:s6], [sflag:$0x3], $0x10, s1, s8, $0xb8;
	[tilespmem:$0x6400] =	vst v63  }
0xf2: {  	s12 =	rddreg [dreg:$0xe]  }
0xf3: {  	[spmem:s2] =	stream.indirect.scatter.add.f32 [tilespmem:s6], [sflag:$0x4], $0x10, s12, s8, $0xb8;
	[tilespmem:$0x6400] =	vst v63  }
0xf4: {  	_ =	swait.ge [sflag:s9], $0x1400  }
0xf5: {  	[sflag:s9] =	ssyncset.done $0x0  }
0xf6: {  	[sflag:s9] =	ssyncadd.s32 $0xFFFFEC00  }
0xf7: {  	_ =	swait.ge [sflag:s10], $0x1400  }
0xf8: {  	[sflag:s10] =	ssyncset.done $0x0  }
0xf9: {  	[sflag:s10] =	ssyncadd.s32 $0xFFFFEC00  }
0xfa: {  	_ =	swait.ge [sflag:s11], $0x1400  }
0xfb: {  	[sflag:s11] =	ssyncset.done $0x0  }
0xfc: {  	[sflag:s11] =	ssyncadd.s32 $0xFFFFEC00  }
0xfd: {  	_ =	swait.ge [sflag:s7], $0x1400  }
0xfe: {  	[sflag:s7] =	ssyncset.done $0x0  }
0xff: {  	s1 =	rddreg [dreg:$0xf];
	[sflag:s7] =	ssyncadd.s32 $0xFFFFEC00  }
0x100: {  	[spmem:s2] =	stream.indirect.scatter.add.f32 [tilespmem:s6], [sflag:$0x1], $0x10, s1, s8, $0xb8;
	[tilespmem:$0x6400] =	vst v63  }
0x101: {  	s12 =	rddreg [dreg:$0x10]  }
0x102: {  	[spmem:s2] =	stream.indirect.scatter.add.f32 [tilespmem:s6], [sflag:$0x2], $0x10, s12, s8, $0xb8;
	[tilespmem:$0x6400] =	vst v63  }
0x103: {  	s1 =	rddreg [dreg:$0x11]  }
0x104: {  	[spmem:s2] =	stream.indirect.scatter.add.f32 [tilespmem:s6], [sflag:$0x3], $0x10, s1, s8, $0xb8;
	[tilespmem:$0x6400] =	vst v63  }
0x105: {  	s12 =	rddreg [dreg:$0x12]  }
0x106: {  	[spmem:s2] =	stream.indirect.scatter.add.f32 [tilespmem:s6], [sflag:$0x4], $0x10, s12, s8, $0xb8;
	[tilespmem:$0x6400] =	vst v63  }
0x107: {  	_ =	swait.ge [sflag:s9], $0x1400  }
0x108: {  	[sflag:s9] =	ssyncset.done $0x0  }
0x109: {  	[sflag:s9] =	ssyncadd.s32 $0xFFFFEC00  }
0x10a: {  	_ =	swait.ge [sflag:s10], $0x1400  }
0x10b: {  	[sflag:s10] =	ssyncset.done $0x0  }
0x10c: {  	[sflag:s10] =	ssyncadd.s32 $0xFFFFEC00  }
0x10d: {  	_ =	swait.ge [sflag:s11], $0x1400  }
0x10e: {  	[sflag:s11] =	ssyncset.done $0x0  }
0x10f: {  	[sflag:s11] =	ssyncadd.s32 $0xFFFFEC00  }
0x110: {  	_ =	swait.ge [sflag:s7], $0x1400  }
0x111: {  	[sflag:s7] =	ssyncset.done $0x0  }
0x112: {  	s1 =	rddreg [dreg:$0x13];
	[sflag:s7] =	ssyncadd.s32 $0xFFFFEC00  }
0x113: {  	[spmem:s2] =	stream.indirect.scatter.add.f32 [tilespmem:s6], [sflag:$0x1], $0x10, s1, s8, $0xb8;
	[tilespmem:$0x6400] =	vst v63  }
0x114: {  	s12 =	rddreg [dreg:$0x14]  }
0x115: {  	[spmem:s2] =	stream.indirect.scatter.add.f32 [tilespmem:s6], [sflag:$0x2], $0x10, s12, s8, $0xb8;
	[tilespmem:$0x6400] =	vst v63  }
0x116: {  	s1 =	rddreg [dreg:$0x15]  }
0x117: {  	[spmem:s2] =	stream.indirect.scatter.add.f32 [tilespmem:s6], [sflag:$0x3], $0x10, s1, s8, $0xb8;
	[tilespmem:$0x6400] =	vst v63  }
0x118: {  	_ = 	snop  }
0x119: {  	[spmem:s2] =	stream.indirect.scatter.add.f32 [tilespmem:s6], [sflag:$0x4], $0x10, s17, s8, $0xb8;
	[tilespmem:$0x6400] =	vst v63  }
0x11a: {  	_ =	swait.ge [sflag:s9], $0x1400  }
0x11b: {  	[sflag:s9] =	ssyncset.done $0x0  }
0x11c: {  	[sflag:s9] =	ssyncadd.s32 $0xFFFFEC00  }
0x11d: {  	_ =	swait.ge [sflag:s10], $0x1400  }
0x11e: {  	[sflag:s10] =	ssyncset.done $0x0  }
0x11f: {  	[sflag:s10] =	ssyncadd.s32 $0xFFFFEC00  }
0x120: {  	_ =	swait.ge [sflag:s11], $0x1400  }
0x121: {  	[sflag:s11] =	ssyncset.done $0x0  }
0x122: {  	[sflag:s11] =	ssyncadd.s32 $0xFFFFEC00  }
0x123: {  	_ =	swait.ge [sflag:s7], $0x1400  }
0x124: {  	[sflag:s7] =	ssyncset.done $0x0  }
0x125: {  	[sflag:s7] =	ssyncadd.s32 $0xFFFFEC00  }
0x126: {  	[spmem:s2] =	stream.indirect.scatter.add.f32 [tilespmem:s6], [sflag:$0x1], $0x10, s25, s8, $0xb8;
	[tilespmem:$0x6400] =	vst v63  }
0x127: {  	_ = 	snop  }
0x128: {  	[spmem:s2] =	stream.indirect.scatter.add.f32 [tilespmem:s6], [sflag:$0x2], $0x10, s26, s8, $0xb8;
	[tilespmem:$0x6400] =	vst v63  }
0x129: {  	_ = 	snop  }
0x12a: {  	[spmem:s2] =	stream.indirect.scatter.add.f32 [tilespmem:s6], [sflag:$0x3], $0x10, s28, s8, $0xb8;
	[tilespmem:$0x6400] =	vst v63  }
0x12b: {  	_ = 	snop  }
0x12c: {  	[spmem:s2] =	stream.indirect.scatter.add.f32 [tilespmem:s6], [sflag:$0x4], $0x10, s29, s8, $0xb8;
	[tilespmem:$0x6400] =	vst v63  }
0x12d: {  	_ =	swait.ge [sflag:s9], $0x1400  }
0x12e: {  	[sflag:s9] =	ssyncset.done $0x0  }
0x12f: {  	[sflag:s9] =	ssyncadd.s32 $0xFFFFEC00  }
0x130: {  	_ =	swait.ge [sflag:s10], $0x1400  }
0x131: {  	[sflag:s10] =	ssyncset.done $0x0  }
0x132: {  	[sflag:s10] =	ssyncadd.s32 $0xFFFFEC00  }
0x133: {  	_ =	swait.ge [sflag:s11], $0x1400  }
0x134: {  	[sflag:s11] =	ssyncset.done $0x0  }
0x135: {  	[sflag:s11] =	ssyncadd.s32 $0xFFFFEC00  }
0x136: {  	_ =	swait.ge [sflag:s7], $0x1400  }
0x137: {  	[sflag:s7] =	ssyncset.done $0x0  }
0x138: {  	[sflag:s7] =	ssyncadd.s32 $0xFFFFEC00  }
0x139: {  	[spmem:s2] =	stream.indirect.scatter.add.f32 [tilespmem:s6], [sflag:$0x1], $0x10, s21, s8, $0xb8;
	[tilespmem:$0x6400] =	vst v63  }
0x13a: {  	_ = 	snop  }
0x13b: {  	[spmem:s2] =	stream.indirect.scatter.add.f32 [tilespmem:s6], [sflag:$0x2], $0x10, s22, s8, $0xb8;
	[tilespmem:$0x6400] =	vst v63  }
0x13c: {  	_ = 	snop  }
0x13d: {  	[spmem:s2] =	stream.indirect.scatter.add.f32 [tilespmem:s6], [sflag:$0x3], $0x10, s23, s8, $0xb8;
	[tilespmem:$0x6400] =	vst v63  }
0x13e: {  	_ = 	snop  }
0x13f: {  	[spmem:s2] =	stream.indirect.scatter.add.f32 [tilespmem:s6], [sflag:$0x4], $0x10, s24, s8, $0xb8;
	[tilespmem:$0x6400] =	vst v63  }
0x140: {  	_ =	swait.ge [sflag:s9], $0x1400  }
0x141: {  	[sflag:s9] =	ssyncset.done $0x0  }
0x142: {  	[sflag:s9] =	ssyncadd.s32 $0xFFFFEC00  }
0x143: {  	_ =	swait.ge [sflag:s10], $0x1400  }
0x144: {  	[sflag:s10] =	ssyncset.done $0x0  }
0x145: {  	[sflag:s10] =	ssyncadd.s32 $0xFFFFEC00  }
0x146: {  	_ =	swait.ge [sflag:s11], $0x1400  }
0x147: {  	[sflag:s11] =	ssyncset.done $0x0  }
0x148: {  	[sflag:s11] =	ssyncadd.s32 $0xFFFFEC00  }
0x149: {  	_ =	swait.ge [sflag:s7], $0x1400  }
0x14a: {  	[sflag:s7] =	ssyncset.done $0x0  }
0x14b: {  	s12 =	simm.s32 $0x4600;
	[sflag:s7] =	ssyncadd.s32 $0xFFFFEC00  }
0x14c: {  	[spmem:s2] =	stream.indirect.scatter.add.f32 [tilespmem:s6], [sflag:$0x1], $0x10, s12, s8, $0xb8;
	[tilespmem:$0x6400] =	vst v63  }
0x14d: {  	_ = 	snop  }
0x14e: {  	[spmem:s2] =	stream.indirect.scatter.add.f32 [tilespmem:s6], [sflag:$0x2], $0x10, s18, s8, $0xb8;
	[tilespmem:$0x6400] =	vst v63  }
0x14f: {  	_ = 	snop  }
0x150: {  	[spmem:s2] =	stream.indirect.scatter.add.f32 [tilespmem:s6], [sflag:$0x3], $0x10, s19, s8, $0xb8;
	[tilespmem:$0x6400] =	vst v63  }
0x151: {  	_ = 	snop  }
0x152: {  	[spmem:s2] =	stream.indirect.scatter.add.f32 [tilespmem:s6], [sflag:$0x4], $0x10, s20, s8, $0xb8;
	[tilespmem:$0x6400] =	vst v63  }
0x153: {  	_ =	swait.ge [sflag:s9], $0x1400  }
0x154: {  	[sflag:s9] =	ssyncset.done $0x0  }
0x155: {  	[sflag:s9] =	ssyncadd.s32 $0xFFFFEC00  }
0x156: {  	_ =	swait.ge [sflag:s10], $0x1400  }
0x157: {  	[sflag:s10] =	ssyncset.done $0x0  }
0x158: {  	[sflag:s10] =	ssyncadd.s32 $0xFFFFEC00  }
0x159: {  	_ =	swait.ge [sflag:s11], $0x1400  }
0x15a: {  	[sflag:s11] =	ssyncset.done $0x0  }
0x15b: {  	[sflag:s11] =	ssyncadd.s32 $0xFFFFEC00  }
0x15c: {  	_ =	swait.ge [sflag:s7], $0x1400  }
0x15d: {  	[sflag:s7] =	ssyncset.done $0x0  }
0x15e: {  	[sflag:s7] =	ssyncadd.s32 $0xFFFFEC00  }
0x15f: {  	[spmem:s2] =	stream.indirect.scatter.add.f32 [tilespmem:s6], [sflag:$0x1], $0x10, s13, s8, $0xb8;
	[tilespmem:$0x6400] =	vst v63  }
0x160: {  	_ = 	snop  }
0x161: {  	[spmem:s2] =	stream.indirect.scatter.add.f32 [tilespmem:s6], [sflag:$0x2], $0x10, s14, s8, $0xb8;
	[tilespmem:$0x6400] =	vst v63  }
0x162: {  	_ = 	snop  }
0x163: {  	[spmem:s2] =	stream.indirect.scatter.add.f32 [tilespmem:s6], [sflag:$0x3], $0x10, s15, s8, $0xb8;
	[tilespmem:$0x6400] =	vst v63  }
0x164: {  	_ = 	snop  }
0x165: {  	[spmem:s2] =	stream.indirect.scatter.add.f32 [tilespmem:s6], [sflag:$0x4], $0x10, s16, s8, $0xb8;
	[tilespmem:$0x6400] =	vst v63  }
0x166: {  	_ =	swait.ge [sflag:s9], $0x1400  }
0x167: {  	[sflag:s9] =	ssyncset.done $0x0  }
0x168: {  	[sflag:s9] =	ssyncadd.s32 $0xFFFFEC00  }
0x169: {  	_ =	swait.ge [sflag:s10], $0x1400  }
0x16a: {  	[sflag:s10] =	ssyncset.done $0x0  }
0x16b: {  	[sflag:s10] =	ssyncadd.s32 $0xFFFFEC00  }
0x16c: {  	_ =	swait.ge [sflag:s11], $0x1400  }
0x16d: {  	[sflag:s11] =	ssyncset.done $0x0  }
0x16e: {  	[sflag:s11] =	ssyncadd.s32 $0xFFFFEC00  }
0x16f: {  	_ =	swait.ge [sflag:s7], $0x1400  }
0x170: {  	[sflag:s7] =	ssyncset.done $0x0  }
0x171: {  	p1 =	sne.s32 s0, $0x1;
	[sflag:s7] =	ssyncadd.s32 $0xFFFFEC00  }
.Ltmp2:
0x172: {  	[bflag:$0x0] =	sbarrier.arrive $0xFFFF;
	(pc) =	sbr.rel @p1 .LBB2_4-.Ltmp2, $4  }
0x173: {  	s12 =	rddreg [dreg:$0x7]  }
0x174: {  	[hbm:s12], [sflag:s3] =	dma.local [spmem:s4], $0x500  }
0x175: {  	_ =	swait.ge [sflag:s5], $0x500  }
0x176: {  	s0 =	sadd.s32 $0xFFFFFFFF, s0;
	s1 =	rddreg [dreg:$0x4];
	[sflag:s5] =	ssyncset.done $0x0  }
0x177: {  	s16 =	simm.s32 $0x3AC0;
	s29 =	simm.s32 $0x3FC0  }
0x178: {  	s28 =	simm.s32 $0x3E80;
	s26 =	simm.s32 $0x3D40;
	s25 =	simm.s32 $0x3C00  }
0x179: {  	s24 =	simm.s32 $0x44C0;
	s23 =	simm.s32 $0x4380;
	s22 =	simm.s32 $0x4240  }
0x17a: {  	s21 =	simm.s32 $0x4100;
	s20 =	simm.s32 $0x49C0;
	s19 =	simm.s32 $0x4880  }
0x17b: {  	s18 =	simm.s32 $0x4740;
	s17 =	simm.s32 $0x4600;
	s15 =	simm.s32 $0x4D80  }
0x17c: {  	s14 =	simm.s32 $0x4C40;
	s13 =	simm.s32 $0x4B00;
	s12 =	rddreg [dreg:$0x3]  }
.LBB2_6:
0x17d: {  	[sflag:s5] =	ssyncadd.s32 @p0 $0xFFFFFB00  }
0x17e: {  	[spmem:s4], [sflag:s3] =	dma.local [hbm:s1], $0x500  }
0x17f: {  	_ =	swait.ge [sflag:s5], $0x500  }
0x180: {  	[sflag:s5] =	ssyncset.done $0x0  }
0x181: {  	s0 =	rddreg [dreg:$0x5];
	[sflag:s5] =	ssyncadd.s32 $0xFFFFFB00  }
0x182: {  	[tilespmem:s6], [sflag:$0x5] =	stream.linear.gather [hbm4b:s0+s30], $0x1400, $0x38;
	[tilespmem:$0x6400] =	vst v63  }
0x183: {  	_ =	swait.ge [sflag:s5], $0x1400  }
0x184: {  	[sflag:s5] =	ssyncset.done $0x0  }
0x185: {  	s1 =	rddreg [dreg:$0x6];
	[sflag:s5] =	ssyncadd.s32 $0xFFFFEC00  }
0x186: {  	[tilespmem:s31], [sflag:$0x5] =	stream.linear.gather [hbm4b:s1+s30], $0x2800, $0x38;
	[tilespmem:$0x6400] =	vst v63  }
0x187: {  	_ =	swait.ge [sflag:s5], $0x2800  }
0x188: {  	[sflag:s5] =	ssyncset.done $0x0  }
0x189: {  	[sflag:s5] =	ssyncadd.s32 $0xFFFFD800  }
0x18a: {  	[bflag:$0x0] =	sbarrier.arrive $0xFFFF  }
0x18b: {  	[spmem:s2] =	stream.indirect.scatter.add.f32 [tilespmem:s6], [sflag:$0x1], $0x10, s31, s8, $0xb8;
	[tilespmem:$0x6400] =	vst v63  }
0x18c: {  	s1 =	rddreg [dreg:$0x8]  }
0x18d: {  	[spmem:s2] =	stream.indirect.scatter.add.f32 [tilespmem:s6], [sflag:$0x2], $0x10, s1, s8, $0xb8;
	[tilespmem:$0x6400] =	vst v63  }
0x18e: {  	s30 =	rddreg [dreg:$0x9]  }
0x18f: {  	[spmem:s2] =	stream.indirect.scatter.add.f32 [tilespmem:s6], [sflag:$0x3], $0x10, s30, s8, $0xb8;
	[tilespmem:$0x6400] =	vst v63  }
0x190: {  	s31 =	rddreg [dreg:$0xa]  }
0x191: {  	[spmem:s2] =	stream.indirect.scatter.add.f32 [tilespmem:s6], [sflag:$0x4], $0x10, s31, s8, $0xb8;
	[tilespmem:$0x6400] =	vst v63  }
0x192: {  	_ =	swait.ge [sflag:s9], $0x1400  }
0x193: {  	[sflag:s9] =	ssyncset.done $0x0  }
0x194: {  	[sflag:s9] =	ssyncadd.s32 $0xFFFFEC00  }
0x195: {  	_ =	swait.ge [sflag:s10], $0x1400  }
0x196: {  	[sflag:s10] =	ssyncset.done $0x0  }
0x197: {  	[sflag:s10] =	ssyncadd.s32 $0xFFFFEC00  }
0x198: {  	_ =	swait.ge [sflag:s11], $0x1400  }
0x199: {  	[sflag:s11] =	ssyncset.done $0x0  }
0x19a: {  	[sflag:s11] =	ssyncadd.s32 $0xFFFFEC00  }
0x19b: {  	_ =	swait.ge [sflag:s7], $0x1400  }
0x19c: {  	[sflag:s7] =	ssyncset.done $0x0  }
0x19d: {  	s30 =	rddreg [dreg:$0xb];
	[sflag:s7] =	ssyncadd.s32 $0xFFFFEC00  }
0x19e: {  	[spmem:s2] =	stream.indirect.scatter.add.f32 [tilespmem:s6], [sflag:$0x1], $0x10, s30, s8, $0xb8;
	[tilespmem:$0x6400] =	vst v63  }
0x19f: {  	s31 =	rddreg [dreg:$0xc]  }
0x1a0: {  	[spmem:s2] =	stream.indirect.scatter.add.f32 [tilespmem:s6], [sflag:$0x2], $0x10, s31, s8, $0xb8;
	[tilespmem:$0x6400] =	vst v63  }
0x1a1: {  	s30 =	rddreg [dreg:$0xd]  }
0x1a2: {  	[spmem:s2] =	stream.indirect.scatter.add.f32 [tilespmem:s6], [sflag:$0x3], $0x10, s30, s8, $0xb8;
	[tilespmem:$0x6400] =	vst v63  }
0x1a3: {  	s31 =	rddreg [dreg:$0xe]  }
0x1a4: {  	[spmem:s2] =	stream.indirect.scatter.add.f32 [tilespmem:s6], [sflag:$0x4], $0x10, s31, s8, $0xb8;
	[tilespmem:$0x6400] =	vst v63  }
0x1a5: {  	_ =	swait.ge [sflag:s9], $0x1400  }
0x1a6: {  	[sflag:s9] =	ssyncset.done $0x0  }
0x1a7: {  	[sflag:s9] =	ssyncadd.s32 $0xFFFFEC00  }
0x1a8: {  	_ =	swait.ge [sflag:s10], $0x1400  }
0x1a9: {  	[sflag:s10] =	ssyncset.done $0x0  }
0x1aa: {  	[sflag:s10] =	ssyncadd.s32 $0xFFFFEC00  }
0x1ab: {  	_ =	swait.ge [sflag:s11], $0x1400  }
0x1ac: {  	[sflag:s11] =	ssyncset.done $0x0  }
0x1ad: {  	[sflag:s11] =	ssyncadd.s32 $0xFFFFEC00  }
0x1ae: {  	_ =	swait.ge [sflag:s7], $0x1400  }
0x1af: {  	[sflag:s7] =	ssyncset.done $0x0  }
0x1b0: {  	s30 =	rddreg [dreg:$0xf];
	[sflag:s7] =	ssyncadd.s32 $0xFFFFEC00  }
0x1b1: {  	[spmem:s2] =	stream.indirect.scatter.add.f32 [tilespmem:s6], [sflag:$0x1], $0x10, s30, s8, $0xb8;
	[tilespmem:$0x6400] =	vst v63  }
0x1b2: {  	s31 =	rddreg [dreg:$0x10]  }
0x1b3: {  	[spmem:s2] =	stream.indirect.scatter.add.f32 [tilespmem:s6], [sflag:$0x2], $0x10, s31, s8, $0xb8;
	[tilespmem:$0x6400] =	vst v63  }
0x1b4: {  	s30 =	rddreg [dreg:$0x11]  }
0x1b5: {  	[spmem:s2] =	stream.indirect.scatter.add.f32 [tilespmem:s6], [sflag:$0x3], $0x10, s30, s8, $0xb8;
	[tilespmem:$0x6400] =	vst v63  }
0x1b6: {  	s31 =	rddreg [dreg:$0x12]  }
0x1b7: {  	[spmem:s2] =	stream.indirect.scatter.add.f32 [tilespmem:s6], [sflag:$0x4], $0x10, s31, s8, $0xb8;
	[tilespmem:$0x6400] =	vst v63  }
0x1b8: {  	_ =	swait.ge [sflag:s9], $0x1400  }
0x1b9: {  	[sflag:s9] =	ssyncset.done $0x0  }
0x1ba: {  	[sflag:s9] =	ssyncadd.s32 $0xFFFFEC00  }
0x1bb: {  	_ =	swait.ge [sflag:s10], $0x1400  }
0x1bc: {  	[sflag:s10] =	ssyncset.done $0x0  }
0x1bd: {  	[sflag:s10] =	ssyncadd.s32 $0xFFFFEC00  }
0x1be: {  	_ =	swait.ge [sflag:s11], $0x1400  }
0x1bf: {  	[sflag:s11] =	ssyncset.done $0x0  }
0x1c0: {  	[sflag:s11] =	ssyncadd.s32 $0xFFFFEC00  }
0x1c1: {  	_ =	swait.ge [sflag:s7], $0x1400  }
0x1c2: {  	[sflag:s7] =	ssyncset.done $0x0  }
0x1c3: {  	s1 =	rddreg [dreg:$0x13];
	[sflag:s7] =	ssyncadd.s32 $0xFFFFEC00  }
0x1c4: {  	[spmem:s2] =	stream.indirect.scatter.add.f32 [tilespmem:s6], [sflag:$0x1], $0x10, s1, s8, $0xb8;
	[tilespmem:$0x6400] =	vst v63  }
0x1c5: {  	s30 =	rddreg [dreg:$0x14]  }
0x1c6: {  	[spmem:s2] =	stream.indirect.scatter.add.f32 [tilespmem:s6], [sflag:$0x2], $0x10, s30, s8, $0xb8;
	[tilespmem:$0x6400] =	vst v63  }
0x1c7: {  	s31 =	rddreg [dreg:$0x15]  }
0x1c8: {  	[spmem:s2] =	stream.indirect.scatter.add.f32 [tilespmem:s6], [sflag:$0x3], $0x10, s31, s8, $0xb8;
	[tilespmem:$0x6400] =	vst v63  }
0x1c9: {  	_ = 	snop  }
0x1ca: {  	[spmem:s2] =	stream.indirect.scatter.add.f32 [tilespmem:s6], [sflag:$0x4], $0x10, s16, s8, $0xb8;
	[tilespmem:$0x6400] =	vst v63  }
0x1cb: {  	_ =	swait.ge [sflag:s9], $0x1400  }
0x1cc: {  	[sflag:s9] =	ssyncset.done $0x0  }
0x1cd: {  	[sflag:s9] =	ssyncadd.s32 $0xFFFFEC00  }
0x1ce: {  	_ =	swait.ge [sflag:s10], $0x1400  }
0x1cf: {  	[sflag:s10] =	ssyncset.done $0x0  }
0x1d0: {  	[sflag:s10] =	ssyncadd.s32 $0xFFFFEC00  }
0x1d1: {  	_ =	swait.ge [sflag:s11], $0x1400  }
0x1d2: {  	[sflag:s11] =	ssyncset.done $0x0  }
0x1d3: {  	[sflag:s11] =	ssyncadd.s32 $0xFFFFEC00  }
0x1d4: {  	_ =	swait.ge [sflag:s7], $0x1400  }
0x1d5: {  	[sflag:s7] =	ssyncset.done $0x0  }
0x1d6: {  	[sflag:s7] =	ssyncadd.s32 $0xFFFFEC00  }
0x1d7: {  	[spmem:s2] =	stream.indirect.scatter.add.f32 [tilespmem:s6], [sflag:$0x1], $0x10, s25, s8, $0xb8;
	[tilespmem:$0x6400] =	vst v63  }
0x1d8: {  	_ = 	snop  }
0x1d9: {  	[spmem:s2] =	stream.indirect.scatter.add.f32 [tilespmem:s6], [sflag:$0x2], $0x10, s26, s8, $0xb8;
	[tilespmem:$0x6400] =	vst v63  }
0x1da: {  	_ = 	snop  }
0x1db: {  	[spmem:s2] =	stream.indirect.scatter.add.f32 [tilespmem:s6], [sflag:$0x3], $0x10, s28, s8, $0xb8;
	[tilespmem:$0x6400] =	vst v63  }
0x1dc: {  	_ = 	snop  }
0x1dd: {  	[spmem:s2] =	stream.indirect.scatter.add.f32 [tilespmem:s6], [sflag:$0x4], $0x10, s29, s8, $0xb8;
	[tilespmem:$0x6400] =	vst v63  }
0x1de: {  	_ =	swait.ge [sflag:s9], $0x1400  }
0x1df: {  	[sflag:s9] =	ssyncset.done $0x0  }
0x1e0: {  	[sflag:s9] =	ssyncadd.s32 $0xFFFFEC00  }
0x1e1: {  	_ =	swait.ge [sflag:s10], $0x1400  }
0x1e2: {  	[sflag:s10] =	ssyncset.done $0x0  }
0x1e3: {  	[sflag:s10] =	ssyncadd.s32 $0xFFFFEC00  }
0x1e4: {  	_ =	swait.ge [sflag:s11], $0x1400  }
0x1e5: {  	[sflag:s11] =	ssyncset.done $0x0  }
0x1e6: {  	[sflag:s11] =	ssyncadd.s32 $0xFFFFEC00  }
0x1e7: {  	_ =	swait.ge [sflag:s7], $0x1400  }
0x1e8: {  	[sflag:s7] =	ssyncset.done $0x0  }
0x1e9: {  	[sflag:s7] =	ssyncadd.s32 $0xFFFFEC00  }
0x1ea: {  	[spmem:s2] =	stream.indirect.scatter.add.f32 [tilespmem:s6], [sflag:$0x1], $0x10, s21, s8, $0xb8;
	[tilespmem:$0x6400] =	vst v63  }
0x1eb: {  	_ = 	snop  }
0x1ec: {  	[spmem:s2] =	stream.indirect.scatter.add.f32 [tilespmem:s6], [sflag:$0x2], $0x10, s22, s8, $0xb8;
	[tilespmem:$0x6400] =	vst v63  }
0x1ed: {  	_ = 	snop  }
0x1ee: {  	[spmem:s2] =	stream.indirect.scatter.add.f32 [tilespmem:s6], [sflag:$0x3], $0x10, s23, s8, $0xb8;
	[tilespmem:$0x6400] =	vst v63  }
0x1ef: {  	_ = 	snop  }
0x1f0: {  	[spmem:s2] =	stream.indirect.scatter.add.f32 [tilespmem:s6], [sflag:$0x4], $0x10, s24, s8, $0xb8;
	[tilespmem:$0x6400] =	vst v63  }
0x1f1: {  	_ =	swait.ge [sflag:s9], $0x1400  }
0x1f2: {  	[sflag:s9] =	ssyncset.done $0x0  }
0x1f3: {  	[sflag:s9] =	ssyncadd.s32 $0xFFFFEC00  }
0x1f4: {  	_ =	swait.ge [sflag:s10], $0x1400  }
0x1f5: {  	[sflag:s10] =	ssyncset.done $0x0  }
0x1f6: {  	[sflag:s10] =	ssyncadd.s32 $0xFFFFEC00  }
0x1f7: {  	_ =	swait.ge [sflag:s11], $0x1400  }
0x1f8: {  	[sflag:s11] =	ssyncset.done $0x0  }
0x1f9: {  	[sflag:s11] =	ssyncadd.s32 $0xFFFFEC00  }
0x1fa: {  	_ =	swait.ge [sflag:s7], $0x1400  }
0x1fb: {  	[sflag:s7] =	ssyncset.done $0x0  }
0x1fc: {  	[sflag:s7] =	ssyncadd.s32 $0xFFFFEC00  }
0x1fd: {  	[spmem:s2] =	stream.indirect.scatter.add.f32 [tilespmem:s6], [sflag:$0x1], $0x10, s17, s8, $0xb8;
	[tilespmem:$0x6400] =	vst v63  }
0x1fe: {  	_ = 	snop  }
0x1ff: {  	[spmem:s2] =	stream.indirect.scatter.add.f32 [tilespmem:s6], [sflag:$0x2], $0x10, s18, s8, $0xb8;
	[tilespmem:$0x6400] =	vst v63  }
0x200: {  	_ = 	snop  }
0x201: {  	[spmem:s2] =	stream.indirect.scatter.add.f32 [tilespmem:s6], [sflag:$0x3], $0x10, s19, s8, $0xb8;
	[tilespmem:$0x6400] =	vst v63  }
0x202: {  	_ = 	snop  }
0x203: {  	[spmem:s2] =	stream.indirect.scatter.add.f32 [tilespmem:s6], [sflag:$0x4], $0x10, s20, s8, $0xb8;
	[tilespmem:$0x6400] =	vst v63  }
0x204: {  	_ =	swait.ge [sflag:s9], $0x1400  }
0x205: {  	[sflag:s9] =	ssyncset.done $0x0  }
0x206: {  	[sflag:s9] =	ssyncadd.s32 $0xFFFFEC00  }
0x207: {  	_ =	swait.ge [sflag:s10], $0x1400  }
0x208: {  	[sflag:s10] =	ssyncset.done $0x0  }
0x209: {  	[sflag:s10] =	ssyncadd.s32 $0xFFFFEC00  }
0x20a: {  	_ =	swait.ge [sflag:s11], $0x1400  }
0x20b: {  	[sflag:s11] =	ssyncset.done $0x0  }
0x20c: {  	[sflag:s11] =	ssyncadd.s32 $0xFFFFEC00  }
0x20d: {  	_ =	swait.ge [sflag:s7], $0x1400  }
0x20e: {  	[sflag:s7] =	ssyncset.done $0x0  }
0x20f: {  	[sflag:s7] =	ssyncadd.s32 $0xFFFFEC00  }
0x210: {  	[spmem:s2] =	stream.indirect.scatter.add.f32 [tilespmem:s6], [sflag:$0x1], $0x10, s13, s8, $0xb8;
	[tilespmem:$0x6400] =	vst v63  }
0x211: {  	_ = 	snop  }
0x212: {  	[spmem:s2] =	stream.indirect.scatter.add.f32 [tilespmem:s6], [sflag:$0x2], $0x10, s14, s8, $0xb8;
	[tilespmem:$0x6400] =	vst v63  }
0x213: {  	_ = 	snop  }
0x214: {  	[spmem:s2] =	stream.indirect.scatter.add.f32 [tilespmem:s6], [sflag:$0x3], $0x10, s15, s8, $0xb8;
	[tilespmem:$0x6400] =	vst v63  }
0x215: {  	s29 =	simm.s32 $0x4EC0  }
0x216: {  	[spmem:s2] =	stream.indirect.scatter.add.f32 [tilespmem:s6], [sflag:$0x4], $0x10, s29, s8, $0xb8;
	[tilespmem:$0x6400] =	vst v63  }
0x217: {  	_ =	swait.ge [sflag:s9], $0x1400  }
0x218: {  	[sflag:s9] =	ssyncset.done $0x0  }
0x219: {  	[sflag:s9] =	ssyncadd.s32 $0xFFFFEC00  }
0x21a: {  	_ =	swait.ge [sflag:s10], $0x1400  }
0x21b: {  	[sflag:s10] =	ssyncset.done $0x0  }
0x21c: {  	[sflag:s10] =	ssyncadd.s32 $0xFFFFEC00  }
0x21d: {  	_ =	swait.ge [sflag:s11], $0x1400  }
0x21e: {  	[sflag:s11] =	ssyncset.done $0x0  }
0x21f: {  	[sflag:s11] =	ssyncadd.s32 $0xFFFFEC00  }
0x220: {  	_ =	swait.ge [sflag:s7], $0x1400  }
0x221: {  	[sflag:s7] =	ssyncset.done $0x0  }
0x222: {  	[sflag:s7] =	ssyncadd.s32 $0xFFFFEC00  }
0x223: {  	[bflag:$0x0] =	sbarrier.arrive $0xFFFF  }
0x224: {  	s30 =	rddreg [dreg:$0x7]  }
0x225: {  	[hbm:s30], [sflag:s3] =	dma.local [spmem:s4], $0x500  }
0x226: {  	_ =	swait.ge [sflag:s5], $0x500  }
0x227: {  	[sflag:s5] =	ssyncset.done $0x0  }
0x228: {  	[sflag:s5] =	ssyncadd.s32 $0xFFFFFB00  }
0x229: {  	_ =	sfence.sel $0x180000  }
0x22a: {  	s31 =	stileid.u32;
	[bflag:$0x0] =	sbarrier.arrive $0xFFFF  }
0x22b: {  	p0 =	sne.s32 s31, $0x0;
	_ =	strace $0x90000047  }
0x22c: {  	s0 =	sadd.s32 @!p0 $0x100000, s12;
	[bflag:$0x2] =	sbarrier.arrive $0xFFFF  }
0x22d: {  	[sflag:s0] =	ssyncadd.tile.s32 @!p0 $0x1;
	_ =	shalt  }
.LBB2_1:
0x22e: {  	s16 =	simm.s32 $0x3AC0;
	s29 =	simm.s32 $0x3FC0  }
.Ltmp3:
0x22f: {  	s28 =	simm.s32 $0x3E80;
	s26 =	simm.s32 $0x3D40;
	(pc) =	sbr.rel .LBB2_6-.Ltmp3, $4  }
0x230: {  	s25 =	simm.s32 $0x3C00;
	s24 =	simm.s32 $0x44C0;
	s23 =	simm.s32 $0x4380  }
0x231: {  	s22 =	simm.s32 $0x4240;
	s21 =	simm.s32 $0x4100;
	s20 =	simm.s32 $0x49C0  }
0x232: {  	s19 =	simm.s32 $0x4880;
	s18 =	simm.s32 $0x4740;
	s17 =	simm.s32 $0x4600  }
0x233: {  	s15 =	simm.s32 $0x4D80;
	s14 =	simm.s32 $0x4C40;
	s13 =	simm.s32 $0x4B00  }
.LBB2_3:
0x234: {  	s16 =	simm.s32 $0x3AC0;
	s29 =	simm.s32 $0x3FC0;
	s28 =	simm.s32 $0x3E80  }
.Ltmp4:
0x235: {  	s26 =	simm.s32 $0x3D40;
	s25 =	simm.s32 $0x3C00;
	(pc) =	sbr.rel .LBB2_6-.Ltmp4, $4  }
0x236: {  	s24 =	simm.s32 $0x44C0;
	s23 =	simm.s32 $0x4380;
	s22 =	simm.s32 $0x4240  }
0x237: {  	s21 =	simm.s32 $0x4100;
	s20 =	simm.s32 $0x49C0;
	s19 =	simm.s32 $0x4880  }
0x238: {  	s18 =	simm.s32 $0x4740;
	s17 =	simm.s32 $0x4600;
	s15 =	simm.s32 $0x4D80  }
0x239: {  	s14 =	simm.s32 $0x4C40;
	s13 =	simm.s32 $0x4B00;
	s12 =	rddreg [dreg:$0x3]  }
.Lfunc_end2:
_tile_overlayer_lowered:
.L_overlay_start_2:
0x23a: {  	(tag) =	ssettag $0x2  }
0x23b: {  	s0 =	rddreg [dreg:$0x0];
	s2 =	stileid.u32  }
0x23c: {  	s1 =	rddreg [dreg:$0x1];
	p0 =	sne.s32 s2, $0x0  }
0x23d: {  	s3 =	rddreg [dreg:$0x2];
	[bflag:$0x3] =	sbarrier.arrive $0xFFFF;
	s2 =	simm.s32 @!p0 $0x1C05  }
0x23e: {  	[timem:s3], [sflag:s2] =	dma.local @!p0 [hbm:s0], s1  }
0x23f: {  	s0 =	simm.s32 @!p0 $0x5  }
0x240: {  	_ =	swait.ge @!p0 [sflag:s0], s1  }
0x241: {  	s1 =	ssub.s32 @!p0 $0x0, s1;
	[sflag:s0] =	ssyncset.done @!p0 $0x0  }
0x242: {  	[sflag:s0] =	ssyncadd.s32 @!p0 s1  }
0x243: {  	[bflag:$0x3] =	sbarrier.arrive $0xFFFF  }
0x244: {  	_ =	shalt  }

</sc_bundles>
